<compile_context>
chip_gen: v7x
topology: tpu7x:2x2x1
jax: 0.10.2.dev20260603
libtpu: 0.0.44.dev20260713+nightly
codegen_flags: <defaults>
</compile_context>

<pallas_src>
import jax
import jax.numpy as jnp
from jax import lax
from jax.experimental import pallas as pl
from jax.experimental.pallas import tpu as pltpu
from jax.experimental.pallas import tpu_sc as plsc

B = 16384
L = 50
EMB = 64
HID = 128
NC = 2
NS = 16
NW = NC * NS
EPW = B // NW
CW = 128
NSUB = EPW // CW
NBUF = 4
NCH = L * NSUB


def _sc_pool_body(x4_hbm, table_hbm, out_hbm, idx_v, bufs, pooled_v, sems):
    wid = lax.axis_index("s") * NC + lax.axis_index("c")
    base = wid * EPW

    pltpu.sync_copy(x4_hbm.at[:, wid], idx_v)

    for k in range(NBUF - 1):
        pltpu.async_copy(
            table_hbm.at[idx_v.at[k // NSUB, k % NSUB]], bufs.at[k], sems.at[k]
        )

    def zero(r, _):
        for q in range(EMB // 16):
            pooled_v[r, pl.ds(q * 16, 16)] = jnp.zeros((16,), jnp.float32)
        return _

    lax.fori_loop(0, EPW, zero, None)

    def group(g, _):
        for par in range(NBUF):
            k = g * NBUF + par
            nxt = k + NBUF - 1

            @pl.when(nxt < NCH)
            def _():
                pltpu.async_copy(
                    table_hbm.at[idx_v.at[nxt // NSUB, (par + NBUF - 1) % NBUF]],
                    bufs.at[(par + NBUF - 1) % NBUF],
                    sems.at[(par + NBUF - 1) % NBUF],
                )

            pltpu.make_async_copy(
                table_hbm.at[idx_v.at[k // NSUB, par]], bufs.at[par], sems.at[par]
            ).wait()

            rowbase = par * CW

            def acc_row(j, _, par=par, rowbase=rowbase):
                for q in range(EMB // 16):
                    s = pl.ds(q * 16, 16)
                    pooled_v[rowbase + j, s] = (
                        pooled_v[rowbase + j, s] + bufs[par, j, s]
                    )
                return _

            lax.fori_loop(0, CW, acc_row, None)
        return _

    lax.fori_loop(0, NCH // NBUF, group, None)
    pltpu.sync_copy(pooled_v, out_hbm.at[pl.ds(base, EPW)])


def _sc_pool(x4, table):
    mesh = plsc.VectorSubcoreMesh(
        core_axis_name="c", subcore_axis_name="s", num_cores=NC, num_subcores=NS
    )
    return pl.kernel(
        _sc_pool_body,
        out_type=jax.ShapeDtypeStruct((B, EMB), jnp.float32),
        mesh=mesh,
        compiler_params=pltpu.CompilerParams(use_tc_tiling_on_sc=False),
        scratch_types=[
            pltpu.VMEM((L, NSUB, CW), jnp.int32),
            pltpu.VMEM((NBUF, CW, EMB), jnp.float32),
            pltpu.VMEM((EPW, EMB), jnp.float32),
            pltpu.SemaphoreType.DMA((NBUF,)),
        ],
    )(x4, table)


def _mlp_body(p_ref, w1_ref, b1_ref, w2_ref, b2_ref, o_ref):
    p = p_ref[...] * (1.0 / L)
    h = lax.dot_general(
        p, w1_ref[...], (((1,), (1,)), ((), ())),
        preferred_element_type=jnp.float32,
    )
    h = jnp.maximum(h + b1_ref[...], 0.0)
    o = lax.dot_general(
        h, w2_ref[...], (((1,), (1,)), ((), ())),
        preferred_element_type=jnp.float32,
    )
    o_ref[...] = o + b2_ref[...]


def _mlp(pooled, W1, b1, W2p, b2p):
    BLK = 2048
    return pl.pallas_call(
        _mlp_body,
        grid=(B // BLK,),
        in_specs=[
            pl.BlockSpec((BLK, EMB), lambda i: (i, 0)),
            pl.BlockSpec((HID, EMB), lambda i: (0, 0)),
            pl.BlockSpec((1, HID), lambda i: (0, 0)),
            pl.BlockSpec((8, HID), lambda i: (0, 0)),
            pl.BlockSpec((1, 8), lambda i: (0, 0)),
        ],
        out_specs=pl.BlockSpec((BLK, 8), lambda i: (i, 0)),
        out_shape=jax.ShapeDtypeStruct((B, 8), jnp.float32),
    )(pooled, W1, b1, W2p, b2p)


def kernel(x, table, W1, b1, W2, b2):
    x4 = jnp.transpose(x).reshape(L, NW, NSUB, CW)
    pooled = _sc_pool(x4, table)
    W2p = jnp.pad(W2, ((0, 7), (0, 0)))
    b2p = jnp.pad(b2, (0, 7)).reshape(1, 8)
    out8 = _mlp(pooled, W1, b1.reshape(1, HID), W2p, b2p)
    return out8[:, :1]

# --- scband reference (transcript-rebuilt; emitter-appended) ---
"""Pipeline reference for scband-disaster-tweet-classifier-20358144983579 (READ-ONLY COPY).

The authoritative reference and input builder live on the scoring server;
editing this copy changes nothing except your own understanding.
"""

import jax, jax.numpy as jnp
import numpy as np

VOCAB = 1000000
EMB = 64
HID = 128
B = 16384
L = 50


def setup_inputs(seed: int = 0) -> dict:
    key = jax.random.key(seed)
    k1, k2, k3, k4 = jax.random.split(key, 4)
    x = jax.random.randint(k1, (B, L), 0, VOCAB, dtype=jnp.int64 if jax.config.jax_enable_x64 else jnp.int32).astype(jnp.int32)
    table = (jax.random.normal(k2, (VOCAB, EMB), dtype=jnp.float32) * 0.02).at[0].set(0.0)  # padding_idx=0 row is zero
    W1 = jax.random.normal(k3, (HID, EMB), dtype=jnp.float32) * 0.05
    b1 = jnp.zeros((HID,), dtype=jnp.float32)
    W2 = jax.random.normal(k4, (1, HID), dtype=jnp.float32) * 0.05
    b2 = jnp.zeros((1,), dtype=jnp.float32)
    return {"x": x, "table": table, "W1": W1, "b1": b1, "W2": W2, "b2": b2}


def reference(x, table, W1, b1, W2, b2):
    # nn.Embedding lookup (padding_idx=0 row already zeroed in table)
    emb = jnp.take(table, x, axis=0)          # [B, L, EMB]
    pooled = emb.mean(axis=1)                  # [B, EMB]
    h = pooled @ W1.T + b1                     # fc1
    h = jnp.maximum(h, 0.0)                    # relu
    # dropout is identity in eval mode
    out = h @ W2.T + b2                        # fc2 -> [B, 1]
    return out

if __name__ == "__main__":
    import jax
    _d = setup_inputs()
    print(jax.jit(kernel)(*tuple(_d.values())))

</pallas_src>

<mosaic_0001>
#map = affine_map<(d0, d1) -> (0, 0, 0, 0)>
#map1 = affine_map<(d0, d1) -> (0, 0)>
module attributes {stable_mosaic.version = 14 : i64} {
  func.func @_sc_pool_body(%arg0: i32, %arg1: i32, %arg2: memref<50x32x4x128xi32, #tpu.memory_space<hbm>>, %arg3: memref<1000000x64xf32, #tpu.memory_space<hbm>>, %arg4: memref<16384x64xf32, #tpu.memory_space<hbm>>, %arg5: memref<50x4x128xi32, #tpu.memory_space<vmem>>, %arg6: memref<4x128x64xf32, #tpu.memory_space<vmem>>, %arg7: memref<512x64xf32, #tpu.memory_space<vmem>>, %arg8: memref<4x!tpu.dma_semaphore, #tpu.memory_space<semaphore_mem>>) attributes {dimension_semantics = [#tpu.dimension_semantics<core_parallel>, #tpu.dimension_semantics<subcore_parallel>], iteration_bounds = array<i64: 2, 16>, scalar_prefetch = 0 : i64, scratch_operands = 4 : i64, tpu.core_type = #tpu.core_type<sc_vector_subcore>, window_params = [{transform_indices = #map}, {transform_indices = #map1}, {transform_indices = #map1}]} {
    %mul3A = arith.constant 2 : i32
    %mul3A_0 = arith.muli %arg1, %mul3A : i32
    %add3A = arith.addi %mul3A_0, %arg0 : i32
    %mul3A_1 = arith.constant 512 : i32
    %mul3A_2 = arith.muli %add3A, %mul3A_1 : i32
    "tpu.region"() ({
      %run_scoped3A = tpu.sem_alloc : memref<!tpu.dma_semaphore, #tpu.memory_space<semaphore_mem>>
      %dma_start3A_59 = arith.constant 0 : i32
      %dma_start3A_60 = arith.constant 0 : i32
      %dma_start3A_61 = arith.constant 0 : i32
      %dma_start3A_62 = tpu.memref_slice %arg2[%dma_start3A_59, %add3A, %dma_start3A_60, %dma_start3A_61] : memref<50x32x4x128xi32, #tpu.memory_space<hbm>> -> memref<50x1x4x128xi32, #tpu.memory_space<hbm>>
      %dma_start3A_63 = tpu.memref_squeeze %dma_start3A_62 : memref<50x1x4x128xi32, #tpu.memory_space<hbm>> -> memref<50x4x128xi32, #tpu.memory_space<hbm>>
      %dma_start3A_64 = arith.constant 0 : i32
      %dma_start3A_65 = arith.constant 0 : i32
      %dma_start3A_66 = arith.constant 0 : i32
      %dma_start3A_67 = tpu.memref_slice %arg2[%dma_start3A_64, %add3A, %dma_start3A_65, %dma_start3A_66] : memref<50x32x4x128xi32, #tpu.memory_space<hbm>> -> memref<50x1x4x128xi32, #tpu.memory_space<hbm>>
      %dma_start3A_68 = tpu.memref_squeeze %dma_start3A_67 : memref<50x1x4x128xi32, #tpu.memory_space<hbm>> -> memref<50x4x128xi32, #tpu.memory_space<hbm>>
      tpu.enqueue_dma source(%dma_start3A_68 : memref<50x4x128xi32, #tpu.memory_space<hbm>>) target(%arg5 : memref<50x4x128xi32, #tpu.memory_space<vmem>>) target_semaphore(%run_scoped3A : memref<!tpu.dma_semaphore, #tpu.memory_space<semaphore_mem>>)
      %dma_wait3A = arith.constant 0 : i32
      %dma_wait3A_69 = arith.constant 0 : i32
      %dma_wait3A_70 = arith.constant 0 : i32
      %dma_wait3A_71 = tpu.memref_slice %arg2[%dma_wait3A, %add3A, %dma_wait3A_69, %dma_wait3A_70] : memref<50x32x4x128xi32, #tpu.memory_space<hbm>> -> memref<50x1x4x128xi32, #tpu.memory_space<hbm>>
      %dma_wait3A_72 = tpu.memref_squeeze %dma_wait3A_71 : memref<50x1x4x128xi32, #tpu.memory_space<hbm>> -> memref<50x4x128xi32, #tpu.memory_space<hbm>>
      %dma_wait3A_73 = arith.constant 0 : i32
      %dma_wait3A_74 = arith.constant 0 : i32
      %dma_wait3A_75 = arith.constant 0 : i32
      %dma_wait3A_76 = tpu.memref_slice %arg2[%dma_wait3A_73, %add3A, %dma_wait3A_74, %dma_wait3A_75] : memref<50x32x4x128xi32, #tpu.memory_space<hbm>> -> memref<50x1x4x128xi32, #tpu.memory_space<hbm>>
      %dma_wait3A_77 = tpu.memref_squeeze %dma_wait3A_76 : memref<50x1x4x128xi32, #tpu.memory_space<hbm>> -> memref<50x4x128xi32, #tpu.memory_space<hbm>>
      tpu.wait_dma2 semaphore(%run_scoped3A : memref<!tpu.dma_semaphore, #tpu.memory_space<semaphore_mem>>) src(%dma_wait3A_77 : memref<50x4x128xi32, #tpu.memory_space<hbm>>) dst(%arg5 : memref<50x4x128xi32, #tpu.memory_space<vmem>>)
      tpu.yield
    }) : () -> ()
    %dma_start3A = arith.constant 0 : i32
    %dma_start3A_3 = arith.constant 0 : i32
    %dma_start3A_4 = arith.constant 0 : i32
    %dma_start3A_5 = arith.constant 0 : i32
    %dma_start3A_6 = arith.constant 0 : i32
    %dma_start3A_7 = arith.constant 0 : i32
    %dma_start3A_8 = tpu.memref_slice %arg6[%dma_start3A_4, %dma_start3A_6, %dma_start3A_7] : memref<4x128x64xf32, #tpu.memory_space<vmem>> -> memref<1x128x64xf32, #tpu.memory_space<vmem>>
    %dma_start3A_9 = tpu.memref_squeeze %dma_start3A_8 : memref<1x128x64xf32, #tpu.memory_space<vmem>> -> memref<128x64xf32, #tpu.memory_space<vmem>>
    %dma_start3A_10 = arith.constant 0 : i32
    %dma_start3A_11 = tpu.memref_slice %arg5[%dma_start3A, %dma_start3A_3, %dma_start3A_10] : memref<50x4x128xi32, #tpu.memory_space<vmem>> -> memref<1x1x128xi32, #tpu.memory_space<vmem>>
    %dma_start3A_12 = tpu.memref_squeeze %dma_start3A_11 : memref<1x1x128xi32, #tpu.memory_space<vmem>> -> memref<128xi32, #tpu.memory_space<vmem>>
    %dma_start3A_13 = arith.constant 0 : i32
    %dma_start3A_14 = arith.constant 0 : i32
    %dma_start3A_15 = tpu.memref_slice %arg3[%dma_start3A_13, %dma_start3A_14] : memref<1000000x64xf32, #tpu.memory_space<hbm>> -> memref<1000000x64xf32, #tpu.memory_space<hbm>>
    %dma_start3A_16 = tpu.memref_slice %arg8[%dma_start3A_5] : memref<4x!tpu.dma_semaphore, #tpu.memory_space<semaphore_mem>> -> memref<1x!tpu.dma_semaphore, #tpu.memory_space<semaphore_mem>>
    %dma_start3A_17 = tpu.memref_squeeze %dma_start3A_16 : memref<1x!tpu.dma_semaphore, #tpu.memory_space<semaphore_mem>> -> memref<!tpu.dma_semaphore, #tpu.memory_space<semaphore_mem>>
    tpu.enqueue_indirect_dma source(%dma_start3A_15 : memref<1000000x64xf32, #tpu.memory_space<hbm>>) target(%dma_start3A_9 : memref<128x64xf32, #tpu.memory_space<vmem>>) offsets(%dma_start3A_12 : memref<128xi32, #tpu.memory_space<vmem>>) semaphore(%dma_start3A_17 : memref<!tpu.dma_semaphore, #tpu.memory_space<semaphore_mem>>)
    %dma_start3A_18 = arith.constant 0 : i32
    %dma_start3A_19 = arith.constant 1 : i32
    %dma_start3A_20 = arith.constant 1 : i32
    %dma_start3A_21 = arith.constant 1 : i32
    %dma_start3A_22 = arith.constant 0 : i32
    %dma_start3A_23 = arith.constant 0 : i32
    %dma_start3A_24 = tpu.memref_slice %arg6[%dma_start3A_20, %dma_start3A_22, %dma_start3A_23] : memref<4x128x64xf32, #tpu.memory_space<vmem>> -> memref<1x128x64xf32, #tpu.memory_space<vmem>>
    %dma_start3A_25 = tpu.memref_squeeze %dma_start3A_24 : memref<1x128x64xf32, #tpu.memory_space<vmem>> -> memref<128x64xf32, #tpu.memory_space<vmem>>
    %dma_start3A_26 = arith.constant 0 : i32
    %dma_start3A_27 = tpu.memref_slice %arg5[%dma_start3A_18, %dma_start3A_19, %dma_start3A_26] : memref<50x4x128xi32, #tpu.memory_space<vmem>> -> memref<1x1x128xi32, #tpu.memory_space<vmem>>
    %dma_start3A_28 = tpu.memref_squeeze %dma_start3A_27 : memref<1x1x128xi32, #tpu.memory_space<vmem>> -> memref<128xi32, #tpu.memory_space<vmem>>
    %dma_start3A_29 = arith.constant 0 : i32
    %dma_start3A_30 = arith.constant 0 : i32
    %dma_start3A_31 = tpu.memref_slice %arg3[%dma_start3A_29, %dma_start3A_30] : memref<1000000x64xf32, #tpu.memory_space<hbm>> -> memref<1000000x64xf32, #tpu.memory_space<hbm>>
    %dma_start3A_32 = tpu.memref_slice %arg8[%dma_start3A_21] : memref<4x!tpu.dma_semaphore, #tpu.memory_space<semaphore_mem>> -> memref<1x!tpu.dma_semaphore, #tpu.memory_space<semaphore_mem>>
    %dma_start3A_33 = tpu.memref_squeeze %dma_start3A_32 : memref<1x!tpu.dma_semaphore, #tpu.memory_space<semaphore_mem>> -> memref<!tpu.dma_semaphore, #tpu.memory_space<semaphore_mem>>
    tpu.enqueue_indirect_dma source(%dma_start3A_31 : memref<1000000x64xf32, #tpu.memory_space<hbm>>) target(%dma_start3A_25 : memref<128x64xf32, #tpu.memory_space<vmem>>) offsets(%dma_start3A_28 : memref<128xi32, #tpu.memory_space<vmem>>) semaphore(%dma_start3A_33 : memref<!tpu.dma_semaphore, #tpu.memory_space<semaphore_mem>>)
    %dma_start3A_34 = arith.constant 0 : i32
    %dma_start3A_35 = arith.constant 2 : i32
    %dma_start3A_36 = arith.constant 2 : i32
    %dma_start3A_37 = arith.constant 2 : i32
    %dma_start3A_38 = arith.constant 0 : i32
    %dma_start3A_39 = arith.constant 0 : i32
    %dma_start3A_40 = tpu.memref_slice %arg6[%dma_start3A_36, %dma_start3A_38, %dma_start3A_39] : memref<4x128x64xf32, #tpu.memory_space<vmem>> -> memref<1x128x64xf32, #tpu.memory_space<vmem>>
    %dma_start3A_41 = tpu.memref_squeeze %dma_start3A_40 : memref<1x128x64xf32, #tpu.memory_space<vmem>> -> memref<128x64xf32, #tpu.memory_space<vmem>>
    %dma_start3A_42 = arith.constant 0 : i32
    %dma_start3A_43 = tpu.memref_slice %arg5[%dma_start3A_34, %dma_start3A_35, %dma_start3A_42] : memref<50x4x128xi32, #tpu.memory_space<vmem>> -> memref<1x1x128xi32, #tpu.memory_space<vmem>>
    %dma_start3A_44 = tpu.memref_squeeze %dma_start3A_43 : memref<1x1x128xi32, #tpu.memory_space<vmem>> -> memref<128xi32, #tpu.memory_space<vmem>>
    %dma_start3A_45 = arith.constant 0 : i32
    %dma_start3A_46 = arith.constant 0 : i32
    %dma_start3A_47 = tpu.memref_slice %arg3[%dma_start3A_45, %dma_start3A_46] : memref<1000000x64xf32, #tpu.memory_space<hbm>> -> memref<1000000x64xf32, #tpu.memory_space<hbm>>
    %dma_start3A_48 = tpu.memref_slice %arg8[%dma_start3A_37] : memref<4x!tpu.dma_semaphore, #tpu.memory_space<semaphore_mem>> -> memref<1x!tpu.dma_semaphore, #tpu.memory_space<semaphore_mem>>
    %dma_start3A_49 = tpu.memref_squeeze %dma_start3A_48 : memref<1x!tpu.dma_semaphore, #tpu.memory_space<semaphore_mem>> -> memref<!tpu.dma_semaphore, #tpu.memory_space<semaphore_mem>>
    tpu.enqueue_indirect_dma source(%dma_start3A_47 : memref<1000000x64xf32, #tpu.memory_space<hbm>>) target(%dma_start3A_41 : memref<128x64xf32, #tpu.memory_space<vmem>>) offsets(%dma_start3A_44 : memref<128xi32, #tpu.memory_space<vmem>>) semaphore(%dma_start3A_49 : memref<!tpu.dma_semaphore, #tpu.memory_space<semaphore_mem>>)
    %scan3A = arith.constant 0 : i32
    %scan3A_50 = arith.constant 512 : i32
    %scan3A_51 = arith.addi %scan3A, %scan3A_50 : i32
    %scan3A_52 = arith.constant 1 : i32
    scf.for %scan3A_59 = %scan3A to %scan3A_51 step %scan3A_52  : i32 {
      %broadcast_in_dim3A = arith.constant 0.000000e+00 : f32
      %broadcast_in_dim3A_60 = vector.broadcast %broadcast_in_dim3A : f32 to vector<16xf32>
      %swap3A = arith.index_cast %scan3A_59 : i32 to index
      %swap3A_61 = arith.constant 0 : index
      %swap3A_62 = tpu.vector_load %arg7[%swap3A, %swap3A_61] {strides = array<i32>} : memref<512x64xf32, #tpu.memory_space<vmem>>, vector<1x16xf32>,
      %swap3A_63 = vector.shape_cast %swap3A_62 : vector<1x16xf32> to vector<16xf32>
      %swap3A_64 = vector.shape_cast %broadcast_in_dim3A_60 : vector<16xf32> to vector<1x16xf32>
      tpu.vector_store %arg7[%swap3A, %swap3A_61], %swap3A_64 {strides = array<i32>} : memref<512x64xf32, #tpu.memory_space<vmem>>, vector<1x16xf32>,
      %broadcast_in_dim3A_65 = arith.constant 0.000000e+00 : f32
      %broadcast_in_dim3A_66 = vector.broadcast %broadcast_in_dim3A_65 : f32 to vector<16xf32>
      %swap3A_67 = arith.index_cast %scan3A_59 : i32 to index
      %swap3A_68 = arith.constant 16 : index
      %swap3A_69 = tpu.vector_load %arg7[%swap3A_67, %swap3A_68] {strides = array<i32>} : memref<512x64xf32, #tpu.memory_space<vmem>>, vector<1x16xf32>,
      %swap3A_70 = vector.shape_cast %swap3A_69 : vector<1x16xf32> to vector<16xf32>
      %swap3A_71 = vector.shape_cast %broadcast_in_dim3A_66 : vector<16xf32> to vector<1x16xf32>
      tpu.vector_store %arg7[%swap3A_67, %swap3A_68], %swap3A_71 {strides = array<i32>} : memref<512x64xf32, #tpu.memory_space<vmem>>, vector<1x16xf32>,
      %broadcast_in_dim3A_72 = arith.constant 0.000000e+00 : f32
      %broadcast_in_dim3A_73 = vector.broadcast %broadcast_in_dim3A_72 : f32 to vector<16xf32>
      %swap3A_74 = arith.index_cast %scan3A_59 : i32 to index
      %swap3A_75 = arith.constant 32 : index
      %swap3A_76 = tpu.vector_load %arg7[%swap3A_74, %swap3A_75] {strides = array<i32>} : memref<512x64xf32, #tpu.memory_space<vmem>>, vector<1x16xf32>,
      %swap3A_77 = vector.shape_cast %swap3A_76 : vector<1x16xf32> to vector<16xf32>
      %swap3A_78 = vector.shape_cast %broadcast_in_dim3A_73 : vector<16xf32> to vector<1x16xf32>
      tpu.vector_store %arg7[%swap3A_74, %swap3A_75], %swap3A_78 {strides = array<i32>} : memref<512x64xf32, #tpu.memory_space<vmem>>, vector<1x16xf32>,
      %broadcast_in_dim3A_79 = arith.constant 0.000000e+00 : f32
      %broadcast_in_dim3A_80 = vector.broadcast %broadcast_in_dim3A_79 : f32 to vector<16xf32>
      %swap3A_81 = arith.index_cast %scan3A_59 : i32 to index
      %swap3A_82 = arith.constant 48 : index
      %swap3A_83 = tpu.vector_load %arg7[%swap3A_81, %swap3A_82] {strides = array<i32>} : memref<512x64xf32, #tpu.memory_space<vmem>>, vector<1x16xf32>,
      %swap3A_84 = vector.shape_cast %swap3A_83 : vector<1x16xf32> to vector<16xf32>
      %swap3A_85 = vector.shape_cast %broadcast_in_dim3A_80 : vector<16xf32> to vector<1x16xf32>
      tpu.vector_store %arg7[%swap3A_81, %swap3A_82], %swap3A_85 {strides = array<i32>} : memref<512x64xf32, #tpu.memory_space<vmem>>, vector<1x16xf32>,
    }
    %scan3A_53 = arith.constant 512 : i32
    %scan3A_54 = arith.constant 0 : i32
    %scan3A_55 = arith.constant 50 : i32
    %scan3A_56 = arith.addi %scan3A_54, %scan3A_55 : i32
    %scan3A_57 = arith.constant 1 : i32
    scf.for %scan3A_59 = %scan3A_54 to %scan3A_56 step %scan3A_57  : i32 {
      %mul3A_60 = arith.constant 4 : i32
      %mul3A_61 = arith.muli %scan3A_59, %mul3A_60 : i32
      %add3A_62 = arith.constant 0 : i32
      %add3A_63 = arith.addi %mul3A_61, %add3A_62 : i32
      %add3A_64 = arith.constant 4 : i32
      %add3A_65 = arith.addi %add3A_63, %add3A_64 : i32
      %sub3A = arith.constant 1 : i32
      %sub3A_66 = arith.subi %add3A_65, %sub3A : i32
      %lt3A = arith.constant 200 : i32
      %lt3A_67 = arith.cmpi slt, %sub3A_66, %lt3A : i32
      %convert_element_type3A = arith.extui %lt3A_67 : i1 to i32
      %cond3A = arith.constant 0 : i32
      %cond3A_68 = arith.cmpi ne, %convert_element_type3A, %cond3A : i32
      scf.if %cond3A_68 {
        %jit3A_276 = arith.constant 4 : i32
        %div3A_277 = arith.divsi %sub3A_66, %jit3A_276 : i32
        %sign3A_278 = arith.constant 0 : i32
        %sign3A_279 = arith.cmpi sgt, %sub3A_66, %sign3A_278 : i32
        %sign3A_280 = arith.extui %sign3A_279 : i1 to i32
        %sign3A_281 = arith.constant 0 : i32
        %sign3A_282 = arith.cmpi slt, %sub3A_66, %sign3A_281 : i32
        %sign3A_283 = arith.extui %sign3A_282 : i1 to i32
        %sign3A_284 = arith.subi %sign3A_280, %sign3A_283 : i32
        %sign3A_285 = arith.constant 0 : i32
        %sign3A_286 = arith.cmpi sgt, %jit3A_276, %sign3A_285 : i32
        %sign3A_287 = arith.extui %sign3A_286 : i1 to i32
        %sign3A_288 = arith.constant 0 : i32
        %sign3A_289 = arith.cmpi slt, %jit3A_276, %sign3A_288 : i32
        %sign3A_290 = arith.extui %sign3A_289 : i1 to i32
        %sign3A_291 = arith.subi %sign3A_287, %sign3A_290 : i32
        %ne3A_292 = arith.cmpi ne, %sign3A_284, %sign3A_291 : i32
        %rem3A_293 = arith.remsi %sub3A_66, %jit3A_276 : i32
        %ne3A_294 = arith.constant 0 : i32
        %ne3A_295 = arith.cmpi ne, %rem3A_293, %ne3A_294 : i32
        %and3A_296 = arith.andi %ne3A_292, %ne3A_295 : i1
        %sub3A_297 = arith.constant 1 : i32
        %sub3A_298 = arith.subi %div3A_277, %sub3A_297 : i32
        %select_n3A_299 = arith.select %and3A_296, %sub3A_298, %div3A_277 : i32
        %dma_start3A_300 = arith.constant 3 : i32
        %dma_start3A_301 = arith.constant 3 : i32
        %dma_start3A_302 = arith.constant 3 : i32
        %dma_start3A_303 = arith.constant 0 : i32
        %dma_start3A_304 = arith.constant 0 : i32
        %dma_start3A_305 = tpu.memref_slice %arg6[%dma_start3A_301, %dma_start3A_303, %dma_start3A_304] : memref<4x128x64xf32, #tpu.memory_space<vmem>> -> memref<1x128x64xf32, #tpu.memory_space<vmem>>
        %dma_start3A_306 = tpu.memref_squeeze %dma_start3A_305 : memref<1x128x64xf32, #tpu.memory_space<vmem>> -> memref<128x64xf32, #tpu.memory_space<vmem>>
        %dma_start3A_307 = arith.constant 0 : i32
        %dma_start3A_308 = tpu.memref_slice %arg5[%select_n3A_299, %dma_start3A_300, %dma_start3A_307] : memref<50x4x128xi32, #tpu.memory_space<vmem>> -> memref<1x1x128xi32, #tpu.memory_space<vmem>>
        %dma_start3A_309 = tpu.memref_squeeze %dma_start3A_308 : memref<1x1x128xi32, #tpu.memory_space<vmem>> -> memref<128xi32, #tpu.memory_space<vmem>>
        %dma_start3A_310 = arith.constant 0 : i32
        %dma_start3A_311 = arith.constant 0 : i32
        %dma_start3A_312 = tpu.memref_slice %arg3[%dma_start3A_310, %dma_start3A_311] : memref<1000000x64xf32, #tpu.memory_space<hbm>> -> memref<1000000x64xf32, #tpu.memory_space<hbm>>
        %dma_start3A_313 = tpu.memref_slice %arg8[%dma_start3A_302] : memref<4x!tpu.dma_semaphore, #tpu.memory_space<semaphore_mem>> -> memref<1x!tpu.dma_semaphore, #tpu.memory_space<semaphore_mem>>
        %dma_start3A_314 = tpu.memref_squeeze %dma_start3A_313 : memref<1x!tpu.dma_semaphore, #tpu.memory_space<semaphore_mem>> -> memref<!tpu.dma_semaphore, #tpu.memory_space<semaphore_mem>>
        tpu.enqueue_indirect_dma source(%dma_start3A_312 : memref<1000000x64xf32, #tpu.memory_space<hbm>>) target(%dma_start3A_306 : memref<128x64xf32, #tpu.memory_space<vmem>>) offsets(%dma_start3A_309 : memref<128xi32, #tpu.memory_space<vmem>>) semaphore(%dma_start3A_314 : memref<!tpu.dma_semaphore, #tpu.memory_space<semaphore_mem>>)
      } else {
      }
      %jit3A = arith.constant 4 : i32
      %div3A = arith.divsi %add3A_63, %jit3A : i32
      %sign3A = arith.constant 0 : i32
      %sign3A_69 = arith.cmpi sgt, %add3A_63, %sign3A : i32
      %sign3A_70 = arith.extui %sign3A_69 : i1 to i32
      %sign3A_71 = arith.constant 0 : i32
      %sign3A_72 = arith.cmpi slt, %add3A_63, %sign3A_71 : i32
      %sign3A_73 = arith.extui %sign3A_72 : i1 to i32
      %sign3A_74 = arith.subi %sign3A_70, %sign3A_73 : i32
      %sign3A_75 = arith.constant 0 : i32
      %sign3A_76 = arith.cmpi sgt, %jit3A, %sign3A_75 : i32
      %sign3A_77 = arith.extui %sign3A_76 : i1 to i32
      %sign3A_78 = arith.constant 0 : i32
      %sign3A_79 = arith.cmpi slt, %jit3A, %sign3A_78 : i32
      %sign3A_80 = arith.extui %sign3A_79 : i1 to i32
      %sign3A_81 = arith.subi %sign3A_77, %sign3A_80 : i32
      %ne3A = arith.cmpi ne, %sign3A_74, %sign3A_81 : i32
      %rem3A = arith.remsi %add3A_63, %jit3A : i32
      %ne3A_82 = arith.constant 0 : i32
      %ne3A_83 = arith.cmpi ne, %rem3A, %ne3A_82 : i32
      %and3A = arith.andi %ne3A, %ne3A_83 : i1
      %sub3A_84 = arith.constant 1 : i32
      %sub3A_85 = arith.subi %div3A, %sub3A_84 : i32
      %select_n3A = arith.select %and3A, %sub3A_85, %div3A : i32
      %dma_wait3A = arith.constant 0 : i32
      %dma_wait3A_86 = arith.constant 0 : i32
      %dma_wait3A_87 = arith.constant 0 : i32
      %dma_wait3A_88 = arith.constant 0 : i32
      %dma_wait3A_89 = arith.constant 0 : i32
      %dma_wait3A_90 = tpu.memref_slice %arg6[%dma_wait3A_86, %dma_wait3A_88, %dma_wait3A_89] : memref<4x128x64xf32, #tpu.memory_space<vmem>> -> memref<1x128x64xf32, #tpu.memory_space<vmem>>
      %dma_wait3A_91 = tpu.memref_squeeze %dma_wait3A_90 : memref<1x128x64xf32, #tpu.memory_space<vmem>> -> memref<128x64xf32, #tpu.memory_space<vmem>>
      %dma_wait3A_92 = arith.constant 0 : i32
      %dma_wait3A_93 = tpu.memref_slice %arg5[%select_n3A, %dma_wait3A, %dma_wait3A_92] : memref<50x4x128xi32, #tpu.memory_space<vmem>> -> memref<1x1x128xi32, #tpu.memory_space<vmem>>
      %dma_wait3A_94 = tpu.memref_squeeze %dma_wait3A_93 : memref<1x1x128xi32, #tpu.memory_space<vmem>> -> memref<128xi32, #tpu.memory_space<vmem>>
      %dma_wait3A_95 = arith.constant 0 : i32
      %dma_wait3A_96 = arith.constant 0 : i32
      %dma_wait3A_97 = tpu.memref_slice %arg3[%dma_wait3A_95, %dma_wait3A_96] : memref<1000000x64xf32, #tpu.memory_space<hbm>> -> memref<1000000x64xf32, #tpu.memory_space<hbm>>
      %dma_wait3A_98 = tpu.memref_slice %arg8[%dma_wait3A_87] : memref<4x!tpu.dma_semaphore, #tpu.memory_space<semaphore_mem>> -> memref<1x!tpu.dma_semaphore, #tpu.memory_space<semaphore_mem>>
      %dma_wait3A_99 = tpu.memref_squeeze %dma_wait3A_98 : memref<1x!tpu.dma_semaphore, #tpu.memory_space<semaphore_mem>> -> memref<!tpu.dma_semaphore, #tpu.memory_space<semaphore_mem>>
      tpu.wait_indirect_dma semaphore(%dma_wait3A_99 : memref<!tpu.dma_semaphore, #tpu.memory_space<semaphore_mem>>) src(%dma_wait3A_97 : memref<1000000x64xf32, #tpu.memory_space<hbm>>) dst(%dma_wait3A_91 : memref<128x64xf32, #tpu.memory_space<vmem>>)
      %scan3A_100 = arith.constant 0 : i32
      %scan3A_101 = arith.constant 128 : i32
      %scan3A_102 = arith.addi %scan3A_100, %scan3A_101 : i32
      %scan3A_103 = arith.constant 1 : i32
      scf.for %scan3A_276 = %scan3A_100 to %scan3A_102 step %scan3A_103  : i32 {
        %add3A_277 = arith.constant 0 : i32
        %add3A_278 = arith.addi %add3A_277, %scan3A_276 : i32
        %get3A = arith.index_cast %add3A_278 : i32 to index
        %get3A_279 = arith.constant 0 : index
        %get3A_280 = tpu.vector_load %arg7[%get3A, %get3A_279] {strides = array<i32>} : memref<512x64xf32, #tpu.memory_space<vmem>>, vector<1x16xf32>,
        %get3A_281 = vector.shape_cast %get3A_280 : vector<1x16xf32> to vector<16xf32>
        %get3A_282 = arith.constant 0 : i32
        %get3A_283 = arith.index_cast %get3A_282 : i32 to index
        %get3A_284 = arith.index_cast %scan3A_276 : i32 to index
        %get3A_285 = arith.constant 0 : index
        %get3A_286 = tpu.vector_load %arg6[%get3A_283, %get3A_284, %get3A_285] {strides = array<i32>} : memref<4x128x64xf32, #tpu.memory_space<vmem>>, vector<1x1x16xf32>,
        %get3A_287 = vector.shape_cast %get3A_286 : vector<1x1x16xf32> to vector<16xf32>
        %add3A_288 = arith.addf %get3A_281, %get3A_287 : vector<16xf32>
        %add3A_289 = arith.constant 0 : i32
        %add3A_290 = arith.addi %add3A_289, %scan3A_276 : i32
        %swap3A = arith.index_cast %add3A_290 : i32 to index
        %swap3A_291 = arith.constant 0 : index
        %swap3A_292 = tpu.vector_load %arg7[%swap3A, %swap3A_291] {strides = array<i32>} : memref<512x64xf32, #tpu.memory_space<vmem>>, vector<1x16xf32>,
        %swap3A_293 = vector.shape_cast %swap3A_292 : vector<1x16xf32> to vector<16xf32>
        %swap3A_294 = vector.shape_cast %add3A_288 : vector<16xf32> to vector<1x16xf32>
        tpu.vector_store %arg7[%swap3A, %swap3A_291], %swap3A_294 {strides = array<i32>} : memref<512x64xf32, #tpu.memory_space<vmem>>, vector<1x16xf32>,
        %add3A_295 = arith.constant 0 : i32
        %add3A_296 = arith.addi %add3A_295, %scan3A_276 : i32
        %get3A_297 = arith.index_cast %add3A_296 : i32 to index
        %get3A_298 = arith.constant 16 : index
        %get3A_299 = tpu.vector_load %arg7[%get3A_297, %get3A_298] {strides = array<i32>} : memref<512x64xf32, #tpu.memory_space<vmem>>, vector<1x16xf32>,
        %get3A_300 = vector.shape_cast %get3A_299 : vector<1x16xf32> to vector<16xf32>
        %get3A_301 = arith.constant 0 : i32
        %get3A_302 = arith.index_cast %get3A_301 : i32 to index
        %get3A_303 = arith.index_cast %scan3A_276 : i32 to index
        %get3A_304 = arith.constant 16 : index
        %get3A_305 = tpu.vector_load %arg6[%get3A_302, %get3A_303, %get3A_304] {strides = array<i32>} : memref<4x128x64xf32, #tpu.memory_space<vmem>>, vector<1x1x16xf32>,
        %get3A_306 = vector.shape_cast %get3A_305 : vector<1x1x16xf32> to vector<16xf32>
        %add3A_307 = arith.addf %get3A_300, %get3A_306 : vector<16xf32>
        %add3A_308 = arith.constant 0 : i32
        %add3A_309 = arith.addi %add3A_308, %scan3A_276 : i32
        %swap3A_310 = arith.index_cast %add3A_309 : i32 to index
        %swap3A_311 = arith.constant 16 : index
        %swap3A_312 = tpu.vector_load %arg7[%swap3A_310, %swap3A_311] {strides = array<i32>} : memref<512x64xf32, #tpu.memory_space<vmem>>, vector<1x16xf32>,
        %swap3A_313 = vector.shape_cast %swap3A_312 : vector<1x16xf32> to vector<16xf32>
        %swap3A_314 = vector.shape_cast %add3A_307 : vector<16xf32> to vector<1x16xf32>
        tpu.vector_store %arg7[%swap3A_310, %swap3A_311], %swap3A_314 {strides = array<i32>} : memref<512x64xf32, #tpu.memory_space<vmem>>, vector<1x16xf32>,
        %add3A_315 = arith.constant 0 : i32
        %add3A_316 = arith.addi %add3A_315, %scan3A_276 : i32
        %get3A_317 = arith.index_cast %add3A_316 : i32 to index
        %get3A_318 = arith.constant 32 : index
        %get3A_319 = tpu.vector_load %arg7[%get3A_317, %get3A_318] {strides = array<i32>} : memref<512x64xf32, #tpu.memory_space<vmem>>, vector<1x16xf32>,
        %get3A_320 = vector.shape_cast %get3A_319 : vector<1x16xf32> to vector<16xf32>
        %get3A_321 = arith.constant 0 : i32
        %get3A_322 = arith.index_cast %get3A_321 : i32 to index
        %get3A_323 = arith.index_cast %scan3A_276 : i32 to index
        %get3A_324 = arith.constant 32 : index
        %get3A_325 = tpu.vector_load %arg6[%get3A_322, %get3A_323, %get3A_324] {strides = array<i32>} : memref<4x128x64xf32, #tpu.memory_space<vmem>>, vector<1x1x16xf32>,
        %get3A_326 = vector.shape_cast %get3A_325 : vector<1x1x16xf32> to vector<16xf32>
        %add3A_327 = arith.addf %get3A_320, %get3A_326 : vector<16xf32>
        %add3A_328 = arith.constant 0 : i32
        %add3A_329 = arith.addi %add3A_328, %scan3A_276 : i32
        %swap3A_330 = arith.index_cast %add3A_329 : i32 to index
        %swap3A_331 = arith.constant 32 : index
        %swap3A_332 = tpu.vector_load %arg7[%swap3A_330, %swap3A_331] {strides = array<i32>} : memref<512x64xf32, #tpu.memory_space<vmem>>, vector<1x16xf32>,
        %swap3A_333 = vector.shape_cast %swap3A_332 : vector<1x16xf32> to vector<16xf32>
        %swap3A_334 = vector.shape_cast %add3A_327 : vector<16xf32> to vector<1x16xf32>
        tpu.vector_store %arg7[%swap3A_330, %swap3A_331], %swap3A_334 {strides = array<i32>} : memref<512x64xf32, #tpu.memory_space<vmem>>, vector<1x16xf32>,
        %add3A_335 = arith.constant 0 : i32
        %add3A_336 = arith.addi %add3A_335, %scan3A_276 : i32
        %get3A_337 = arith.index_cast %add3A_336 : i32 to index
        %get3A_338 = arith.constant 48 : index
        %get3A_339 = tpu.vector_load %arg7[%get3A_337, %get3A_338] {strides = array<i32>} : memref<512x64xf32, #tpu.memory_space<vmem>>, vector<1x16xf32>,
        %get3A_340 = vector.shape_cast %get3A_339 : vector<1x16xf32> to vector<16xf32>
        %get3A_341 = arith.constant 0 : i32
        %get3A_342 = arith.index_cast %get3A_341 : i32 to index
        %get3A_343 = arith.index_cast %scan3A_276 : i32 to index
        %get3A_344 = arith.constant 48 : index
        %get3A_345 = tpu.vector_load %arg6[%get3A_342, %get3A_343, %get3A_344] {strides = array<i32>} : memref<4x128x64xf32, #tpu.memory_space<vmem>>, vector<1x1x16xf32>,
        %get3A_346 = vector.shape_cast %get3A_345 : vector<1x1x16xf32> to vector<16xf32>
        %add3A_347 = arith.addf %get3A_340, %get3A_346 : vector<16xf32>
        %add3A_348 = arith.constant 0 : i32
        %add3A_349 = arith.addi %add3A_348, %scan3A_276 : i32
        %swap3A_350 = arith.index_cast %add3A_349 : i32 to index
        %swap3A_351 = arith.constant 48 : index
        %swap3A_352 = tpu.vector_load %arg7[%swap3A_350, %swap3A_351] {strides = array<i32>} : memref<512x64xf32, #tpu.memory_space<vmem>>, vector<1x16xf32>,
        %swap3A_353 = vector.shape_cast %swap3A_352 : vector<1x16xf32> to vector<16xf32>
        %swap3A_354 = vector.shape_cast %add3A_347 : vector<16xf32> to vector<1x16xf32>
        tpu.vector_store %arg7[%swap3A_350, %swap3A_351], %swap3A_354 {strides = array<i32>} : memref<512x64xf32, #tpu.memory_space<vmem>>, vector<1x16xf32>,
      }
      %scan3A_104 = arith.constant 128 : i32
      %mul3A_105 = arith.constant 4 : i32
      %mul3A_106 = arith.muli %scan3A_59, %mul3A_105 : i32
      %add3A_107 = arith.constant 1 : i32
      %add3A_108 = arith.addi %mul3A_106, %add3A_107 : i32
      %add3A_109 = arith.constant 4 : i32
      %add3A_110 = arith.addi %add3A_108, %add3A_109 : i32
      %sub3A_111 = arith.constant 1 : i32
      %sub3A_112 = arith.subi %add3A_110, %sub3A_111 : i32
      %lt3A_113 = arith.constant 200 : i32
      %lt3A_114 = arith.cmpi slt, %sub3A_112, %lt3A_113 : i32
      %convert_element_type3A_115 = arith.extui %lt3A_114 : i1 to i32
      %cond3A_116 = arith.constant 0 : i32
      %cond3A_117 = arith.cmpi ne, %convert_element_type3A_115, %cond3A_116 : i32
      scf.if %cond3A_117 {
        %jit3A_276 = arith.constant 4 : i32
        %div3A_277 = arith.divsi %sub3A_112, %jit3A_276 : i32
        %sign3A_278 = arith.constant 0 : i32
        %sign3A_279 = arith.cmpi sgt, %sub3A_112, %sign3A_278 : i32
        %sign3A_280 = arith.extui %sign3A_279 : i1 to i32
        %sign3A_281 = arith.constant 0 : i32
        %sign3A_282 = arith.cmpi slt, %sub3A_112, %sign3A_281 : i32
        %sign3A_283 = arith.extui %sign3A_282 : i1 to i32
        %sign3A_284 = arith.subi %sign3A_280, %sign3A_283 : i32
        %sign3A_285 = arith.constant 0 : i32
        %sign3A_286 = arith.cmpi sgt, %jit3A_276, %sign3A_285 : i32
        %sign3A_287 = arith.extui %sign3A_286 : i1 to i32
        %sign3A_288 = arith.constant 0 : i32
        %sign3A_289 = arith.cmpi slt, %jit3A_276, %sign3A_288 : i32
        %sign3A_290 = arith.extui %sign3A_289 : i1 to i32
        %sign3A_291 = arith.subi %sign3A_287, %sign3A_290 : i32
        %ne3A_292 = arith.cmpi ne, %sign3A_284, %sign3A_291 : i32
        %rem3A_293 = arith.remsi %sub3A_112, %jit3A_276 : i32
        %ne3A_294 = arith.constant 0 : i32
        %ne3A_295 = arith.cmpi ne, %rem3A_293, %ne3A_294 : i32
        %and3A_296 = arith.andi %ne3A_292, %ne3A_295 : i1
        %sub3A_297 = arith.constant 1 : i32
        %sub3A_298 = arith.subi %div3A_277, %sub3A_297 : i32
        %select_n3A_299 = arith.select %and3A_296, %sub3A_298, %div3A_277 : i32
        %dma_start3A_300 = arith.constant 0 : i32
        %dma_start3A_301 = arith.constant 0 : i32
        %dma_start3A_302 = arith.constant 0 : i32
        %dma_start3A_303 = arith.constant 0 : i32
        %dma_start3A_304 = arith.constant 0 : i32
        %dma_start3A_305 = tpu.memref_slice %arg6[%dma_start3A_301, %dma_start3A_303, %dma_start3A_304] : memref<4x128x64xf32, #tpu.memory_space<vmem>> -> memref<1x128x64xf32, #tpu.memory_space<vmem>>
        %dma_start3A_306 = tpu.memref_squeeze %dma_start3A_305 : memref<1x128x64xf32, #tpu.memory_space<vmem>> -> memref<128x64xf32, #tpu.memory_space<vmem>>
        %dma_start3A_307 = arith.constant 0 : i32
        %dma_start3A_308 = tpu.memref_slice %arg5[%select_n3A_299, %dma_start3A_300, %dma_start3A_307] : memref<50x4x128xi32, #tpu.memory_space<vmem>> -> memref<1x1x128xi32, #tpu.memory_space<vmem>>
        %dma_start3A_309 = tpu.memref_squeeze %dma_start3A_308 : memref<1x1x128xi32, #tpu.memory_space<vmem>> -> memref<128xi32, #tpu.memory_space<vmem>>
        %dma_start3A_310 = arith.constant 0 : i32
        %dma_start3A_311 = arith.constant 0 : i32
        %dma_start3A_312 = tpu.memref_slice %arg3[%dma_start3A_310, %dma_start3A_311] : memref<1000000x64xf32, #tpu.memory_space<hbm>> -> memref<1000000x64xf32, #tpu.memory_space<hbm>>
        %dma_start3A_313 = tpu.memref_slice %arg8[%dma_start3A_302] : memref<4x!tpu.dma_semaphore, #tpu.memory_space<semaphore_mem>> -> memref<1x!tpu.dma_semaphore, #tpu.memory_space<semaphore_mem>>
        %dma_start3A_314 = tpu.memref_squeeze %dma_start3A_313 : memref<1x!tpu.dma_semaphore, #tpu.memory_space<semaphore_mem>> -> memref<!tpu.dma_semaphore, #tpu.memory_space<semaphore_mem>>
        tpu.enqueue_indirect_dma source(%dma_start3A_312 : memref<1000000x64xf32, #tpu.memory_space<hbm>>) target(%dma_start3A_306 : memref<128x64xf32, #tpu.memory_space<vmem>>) offsets(%dma_start3A_309 : memref<128xi32, #tpu.memory_space<vmem>>) semaphore(%dma_start3A_314 : memref<!tpu.dma_semaphore, #tpu.memory_space<semaphore_mem>>)
      } else {
      }
      %jit3A_118 = arith.constant 4 : i32
      %div3A_119 = arith.divsi %add3A_108, %jit3A_118 : i32
      %sign3A_120 = arith.constant 0 : i32
      %sign3A_121 = arith.cmpi sgt, %add3A_108, %sign3A_120 : i32
      %sign3A_122 = arith.extui %sign3A_121 : i1 to i32
      %sign3A_123 = arith.constant 0 : i32
      %sign3A_124 = arith.cmpi slt, %add3A_108, %sign3A_123 : i32
      %sign3A_125 = arith.extui %sign3A_124 : i1 to i32
      %sign3A_126 = arith.subi %sign3A_122, %sign3A_125 : i32
      %sign3A_127 = arith.constant 0 : i32
      %sign3A_128 = arith.cmpi sgt, %jit3A_118, %sign3A_127 : i32
      %sign3A_129 = arith.extui %sign3A_128 : i1 to i32
      %sign3A_130 = arith.constant 0 : i32
      %sign3A_131 = arith.cmpi slt, %jit3A_118, %sign3A_130 : i32
      %sign3A_132 = arith.extui %sign3A_131 : i1 to i32
      %sign3A_133 = arith.subi %sign3A_129, %sign3A_132 : i32
      %ne3A_134 = arith.cmpi ne, %sign3A_126, %sign3A_133 : i32
      %rem3A_135 = arith.remsi %add3A_108, %jit3A_118 : i32
      %ne3A_136 = arith.constant 0 : i32
      %ne3A_137 = arith.cmpi ne, %rem3A_135, %ne3A_136 : i32
      %and3A_138 = arith.andi %ne3A_134, %ne3A_137 : i1
      %sub3A_139 = arith.constant 1 : i32
      %sub3A_140 = arith.subi %div3A_119, %sub3A_139 : i32
      %select_n3A_141 = arith.select %and3A_138, %sub3A_140, %div3A_119 : i32
      %dma_wait3A_142 = arith.constant 1 : i32
      %dma_wait3A_143 = arith.constant 1 : i32
      %dma_wait3A_144 = arith.constant 1 : i32
      %dma_wait3A_145 = arith.constant 0 : i32
      %dma_wait3A_146 = arith.constant 0 : i32
      %dma_wait3A_147 = tpu.memref_slice %arg6[%dma_wait3A_143, %dma_wait3A_145, %dma_wait3A_146] : memref<4x128x64xf32, #tpu.memory_space<vmem>> -> memref<1x128x64xf32, #tpu.memory_space<vmem>>
      %dma_wait3A_148 = tpu.memref_squeeze %dma_wait3A_147 : memref<1x128x64xf32, #tpu.memory_space<vmem>> -> memref<128x64xf32, #tpu.memory_space<vmem>>
      %dma_wait3A_149 = arith.constant 0 : i32
      %dma_wait3A_150 = tpu.memref_slice %arg5[%select_n3A_141, %dma_wait3A_142, %dma_wait3A_149] : memref<50x4x128xi32, #tpu.memory_space<vmem>> -> memref<1x1x128xi32, #tpu.memory_space<vmem>>
      %dma_wait3A_151 = tpu.memref_squeeze %dma_wait3A_150 : memref<1x1x128xi32, #tpu.memory_space<vmem>> -> memref<128xi32, #tpu.memory_space<vmem>>
      %dma_wait3A_152 = arith.constant 0 : i32
      %dma_wait3A_153 = arith.constant 0 : i32
      %dma_wait3A_154 = tpu.memref_slice %arg3[%dma_wait3A_152, %dma_wait3A_153] : memref<1000000x64xf32, #tpu.memory_space<hbm>> -> memref<1000000x64xf32, #tpu.memory_space<hbm>>
      %dma_wait3A_155 = tpu.memref_slice %arg8[%dma_wait3A_144] : memref<4x!tpu.dma_semaphore, #tpu.memory_space<semaphore_mem>> -> memref<1x!tpu.dma_semaphore, #tpu.memory_space<semaphore_mem>>
      %dma_wait3A_156 = tpu.memref_squeeze %dma_wait3A_155 : memref<1x!tpu.dma_semaphore, #tpu.memory_space<semaphore_mem>> -> memref<!tpu.dma_semaphore, #tpu.memory_space<semaphore_mem>>
      tpu.wait_indirect_dma semaphore(%dma_wait3A_156 : memref<!tpu.dma_semaphore, #tpu.memory_space<semaphore_mem>>) src(%dma_wait3A_154 : memref<1000000x64xf32, #tpu.memory_space<hbm>>) dst(%dma_wait3A_148 : memref<128x64xf32, #tpu.memory_space<vmem>>)
      %scan3A_157 = arith.constant 0 : i32
      %scan3A_158 = arith.constant 128 : i32
      %scan3A_159 = arith.addi %scan3A_157, %scan3A_158 : i32
      %scan3A_160 = arith.constant 1 : i32
      scf.for %scan3A_276 = %scan3A_157 to %scan3A_159 step %scan3A_160  : i32 {
        %add3A_277 = arith.constant 128 : i32
        %add3A_278 = arith.addi %add3A_277, %scan3A_276 : i32
        %get3A = arith.index_cast %add3A_278 : i32 to index
        %get3A_279 = arith.constant 0 : index
        %get3A_280 = tpu.vector_load %arg7[%get3A, %get3A_279] {strides = array<i32>} : memref<512x64xf32, #tpu.memory_space<vmem>>, vector<1x16xf32>,
        %get3A_281 = vector.shape_cast %get3A_280 : vector<1x16xf32> to vector<16xf32>
        %get3A_282 = arith.constant 1 : i32
        %get3A_283 = arith.index_cast %get3A_282 : i32 to index
        %get3A_284 = arith.index_cast %scan3A_276 : i32 to index
        %get3A_285 = arith.constant 0 : index
        %get3A_286 = tpu.vector_load %arg6[%get3A_283, %get3A_284, %get3A_285] {strides = array<i32>} : memref<4x128x64xf32, #tpu.memory_space<vmem>>, vector<1x1x16xf32>,
        %get3A_287 = vector.shape_cast %get3A_286 : vector<1x1x16xf32> to vector<16xf32>
        %add3A_288 = arith.addf %get3A_281, %get3A_287 : vector<16xf32>
        %add3A_289 = arith.constant 128 : i32
        %add3A_290 = arith.addi %add3A_289, %scan3A_276 : i32
        %swap3A = arith.index_cast %add3A_290 : i32 to index
        %swap3A_291 = arith.constant 0 : index
        %swap3A_292 = tpu.vector_load %arg7[%swap3A, %swap3A_291] {strides = array<i32>} : memref<512x64xf32, #tpu.memory_space<vmem>>, vector<1x16xf32>,
        %swap3A_293 = vector.shape_cast %swap3A_292 : vector<1x16xf32> to vector<16xf32>
        %swap3A_294 = vector.shape_cast %add3A_288 : vector<16xf32> to vector<1x16xf32>
        tpu.vector_store %arg7[%swap3A, %swap3A_291], %swap3A_294 {strides = array<i32>} : memref<512x64xf32, #tpu.memory_space<vmem>>, vector<1x16xf32>,
        %add3A_295 = arith.constant 128 : i32
        %add3A_296 = arith.addi %add3A_295, %scan3A_276 : i32
        %get3A_297 = arith.index_cast %add3A_296 : i32 to index
        %get3A_298 = arith.constant 16 : index
        %get3A_299 = tpu.vector_load %arg7[%get3A_297, %get3A_298] {strides = array<i32>} : memref<512x64xf32, #tpu.memory_space<vmem>>, vector<1x16xf32>,
        %get3A_300 = vector.shape_cast %get3A_299 : vector<1x16xf32> to vector<16xf32>
        %get3A_301 = arith.constant 1 : i32
        %get3A_302 = arith.index_cast %get3A_301 : i32 to index
        %get3A_303 = arith.index_cast %scan3A_276 : i32 to index
        %get3A_304 = arith.constant 16 : index
        %get3A_305 = tpu.vector_load %arg6[%get3A_302, %get3A_303, %get3A_304] {strides = array<i32>} : memref<4x128x64xf32, #tpu.memory_space<vmem>>, vector<1x1x16xf32>,
        %get3A_306 = vector.shape_cast %get3A_305 : vector<1x1x16xf32> to vector<16xf32>
        %add3A_307 = arith.addf %get3A_300, %get3A_306 : vector<16xf32>
        %add3A_308 = arith.constant 128 : i32
        %add3A_309 = arith.addi %add3A_308, %scan3A_276 : i32
        %swap3A_310 = arith.index_cast %add3A_309 : i32 to index
        %swap3A_311 = arith.constant 16 : index
        %swap3A_312 = tpu.vector_load %arg7[%swap3A_310, %swap3A_311] {strides = array<i32>} : memref<512x64xf32, #tpu.memory_space<vmem>>, vector<1x16xf32>,
        %swap3A_313 = vector.shape_cast %swap3A_312 : vector<1x16xf32> to vector<16xf32>
        %swap3A_314 = vector.shape_cast %add3A_307 : vector<16xf32> to vector<1x16xf32>
        tpu.vector_store %arg7[%swap3A_310, %swap3A_311], %swap3A_314 {strides = array<i32>} : memref<512x64xf32, #tpu.memory_space<vmem>>, vector<1x16xf32>,
        %add3A_315 = arith.constant 128 : i32
        %add3A_316 = arith.addi %add3A_315, %scan3A_276 : i32
        %get3A_317 = arith.index_cast %add3A_316 : i32 to index
        %get3A_318 = arith.constant 32 : index
        %get3A_319 = tpu.vector_load %arg7[%get3A_317, %get3A_318] {strides = array<i32>} : memref<512x64xf32, #tpu.memory_space<vmem>>, vector<1x16xf32>,
        %get3A_320 = vector.shape_cast %get3A_319 : vector<1x16xf32> to vector<16xf32>
        %get3A_321 = arith.constant 1 : i32
        %get3A_322 = arith.index_cast %get3A_321 : i32 to index
        %get3A_323 = arith.index_cast %scan3A_276 : i32 to index
        %get3A_324 = arith.constant 32 : index
        %get3A_325 = tpu.vector_load %arg6[%get3A_322, %get3A_323, %get3A_324] {strides = array<i32>} : memref<4x128x64xf32, #tpu.memory_space<vmem>>, vector<1x1x16xf32>,
        %get3A_326 = vector.shape_cast %get3A_325 : vector<1x1x16xf32> to vector<16xf32>
        %add3A_327 = arith.addf %get3A_320, %get3A_326 : vector<16xf32>
        %add3A_328 = arith.constant 128 : i32
        %add3A_329 = arith.addi %add3A_328, %scan3A_276 : i32
        %swap3A_330 = arith.index_cast %add3A_329 : i32 to index
        %swap3A_331 = arith.constant 32 : index
        %swap3A_332 = tpu.vector_load %arg7[%swap3A_330, %swap3A_331] {strides = array<i32>} : memref<512x64xf32, #tpu.memory_space<vmem>>, vector<1x16xf32>,
        %swap3A_333 = vector.shape_cast %swap3A_332 : vector<1x16xf32> to vector<16xf32>
        %swap3A_334 = vector.shape_cast %add3A_327 : vector<16xf32> to vector<1x16xf32>
        tpu.vector_store %arg7[%swap3A_330, %swap3A_331], %swap3A_334 {strides = array<i32>} : memref<512x64xf32, #tpu.memory_space<vmem>>, vector<1x16xf32>,
        %add3A_335 = arith.constant 128 : i32
        %add3A_336 = arith.addi %add3A_335, %scan3A_276 : i32
        %get3A_337 = arith.index_cast %add3A_336 : i32 to index
        %get3A_338 = arith.constant 48 : index
        %get3A_339 = tpu.vector_load %arg7[%get3A_337, %get3A_338] {strides = array<i32>} : memref<512x64xf32, #tpu.memory_space<vmem>>, vector<1x16xf32>,
        %get3A_340 = vector.shape_cast %get3A_339 : vector<1x16xf32> to vector<16xf32>
        %get3A_341 = arith.constant 1 : i32
        %get3A_342 = arith.index_cast %get3A_341 : i32 to index
        %get3A_343 = arith.index_cast %scan3A_276 : i32 to index
        %get3A_344 = arith.constant 48 : index
        %get3A_345 = tpu.vector_load %arg6[%get3A_342, %get3A_343, %get3A_344] {strides = array<i32>} : memref<4x128x64xf32, #tpu.memory_space<vmem>>, vector<1x1x16xf32>,
        %get3A_346 = vector.shape_cast %get3A_345 : vector<1x1x16xf32> to vector<16xf32>
        %add3A_347 = arith.addf %get3A_340, %get3A_346 : vector<16xf32>
        %add3A_348 = arith.constant 128 : i32
        %add3A_349 = arith.addi %add3A_348, %scan3A_276 : i32
        %swap3A_350 = arith.index_cast %add3A_349 : i32 to index
        %swap3A_351 = arith.constant 48 : index
        %swap3A_352 = tpu.vector_load %arg7[%swap3A_350, %swap3A_351] {strides = array<i32>} : memref<512x64xf32, #tpu.memory_space<vmem>>, vector<1x16xf32>,
        %swap3A_353 = vector.shape_cast %swap3A_352 : vector<1x16xf32> to vector<16xf32>
        %swap3A_354 = vector.shape_cast %add3A_347 : vector<16xf32> to vector<1x16xf32>
        tpu.vector_store %arg7[%swap3A_350, %swap3A_351], %swap3A_354 {strides = array<i32>} : memref<512x64xf32, #tpu.memory_space<vmem>>, vector<1x16xf32>,
      }
      %scan3A_161 = arith.constant 128 : i32
      %mul3A_162 = arith.constant 4 : i32
      %mul3A_163 = arith.muli %scan3A_59, %mul3A_162 : i32
      %add3A_164 = arith.constant 2 : i32
      %add3A_165 = arith.addi %mul3A_163, %add3A_164 : i32
      %add3A_166 = arith.constant 4 : i32
      %add3A_167 = arith.addi %add3A_165, %add3A_166 : i32
      %sub3A_168 = arith.constant 1 : i32
      %sub3A_169 = arith.subi %add3A_167, %sub3A_168 : i32
      %lt3A_170 = arith.constant 200 : i32
      %lt3A_171 = arith.cmpi slt, %sub3A_169, %lt3A_170 : i32
      %convert_element_type3A_172 = arith.extui %lt3A_171 : i1 to i32
      %cond3A_173 = arith.constant 0 : i32
      %cond3A_174 = arith.cmpi ne, %convert_element_type3A_172, %cond3A_173 : i32
      scf.if %cond3A_174 {
        %jit3A_276 = arith.constant 4 : i32
        %div3A_277 = arith.divsi %sub3A_169, %jit3A_276 : i32
        %sign3A_278 = arith.constant 0 : i32
        %sign3A_279 = arith.cmpi sgt, %sub3A_169, %sign3A_278 : i32
        %sign3A_280 = arith.extui %sign3A_279 : i1 to i32
        %sign3A_281 = arith.constant 0 : i32
        %sign3A_282 = arith.cmpi slt, %sub3A_169, %sign3A_281 : i32
        %sign3A_283 = arith.extui %sign3A_282 : i1 to i32
        %sign3A_284 = arith.subi %sign3A_280, %sign3A_283 : i32
        %sign3A_285 = arith.constant 0 : i32
        %sign3A_286 = arith.cmpi sgt, %jit3A_276, %sign3A_285 : i32
        %sign3A_287 = arith.extui %sign3A_286 : i1 to i32
        %sign3A_288 = arith.constant 0 : i32
        %sign3A_289 = arith.cmpi slt, %jit3A_276, %sign3A_288 : i32
        %sign3A_290 = arith.extui %sign3A_289 : i1 to i32
        %sign3A_291 = arith.subi %sign3A_287, %sign3A_290 : i32
        %ne3A_292 = arith.cmpi ne, %sign3A_284, %sign3A_291 : i32
        %rem3A_293 = arith.remsi %sub3A_169, %jit3A_276 : i32
        %ne3A_294 = arith.constant 0 : i32
        %ne3A_295 = arith.cmpi ne, %rem3A_293, %ne3A_294 : i32
        %and3A_296 = arith.andi %ne3A_292, %ne3A_295 : i1
        %sub3A_297 = arith.constant 1 : i32
        %sub3A_298 = arith.subi %div3A_277, %sub3A_297 : i32
        %select_n3A_299 = arith.select %and3A_296, %sub3A_298, %div3A_277 : i32
        %dma_start3A_300 = arith.constant 1 : i32
        %dma_start3A_301 = arith.constant 1 : i32
        %dma_start3A_302 = arith.constant 1 : i32
        %dma_start3A_303 = arith.constant 0 : i32
        %dma_start3A_304 = arith.constant 0 : i32
        %dma_start3A_305 = tpu.memref_slice %arg6[%dma_start3A_301, %dma_start3A_303, %dma_start3A_304] : memref<4x128x64xf32, #tpu.memory_space<vmem>> -> memref<1x128x64xf32, #tpu.memory_space<vmem>>
        %dma_start3A_306 = tpu.memref_squeeze %dma_start3A_305 : memref<1x128x64xf32, #tpu.memory_space<vmem>> -> memref<128x64xf32, #tpu.memory_space<vmem>>
        %dma_start3A_307 = arith.constant 0 : i32
        %dma_start3A_308 = tpu.memref_slice %arg5[%select_n3A_299, %dma_start3A_300, %dma_start3A_307] : memref<50x4x128xi32, #tpu.memory_space<vmem>> -> memref<1x1x128xi32, #tpu.memory_space<vmem>>
        %dma_start3A_309 = tpu.memref_squeeze %dma_start3A_308 : memref<1x1x128xi32, #tpu.memory_space<vmem>> -> memref<128xi32, #tpu.memory_space<vmem>>
        %dma_start3A_310 = arith.constant 0 : i32
        %dma_start3A_311 = arith.constant 0 : i32
        %dma_start3A_312 = tpu.memref_slice %arg3[%dma_start3A_310, %dma_start3A_311] : memref<1000000x64xf32, #tpu.memory_space<hbm>> -> memref<1000000x64xf32, #tpu.memory_space<hbm>>
        %dma_start3A_313 = tpu.memref_slice %arg8[%dma_start3A_302] : memref<4x!tpu.dma_semaphore, #tpu.memory_space<semaphore_mem>> -> memref<1x!tpu.dma_semaphore, #tpu.memory_space<semaphore_mem>>
        %dma_start3A_314 = tpu.memref_squeeze %dma_start3A_313 : memref<1x!tpu.dma_semaphore, #tpu.memory_space<semaphore_mem>> -> memref<!tpu.dma_semaphore, #tpu.memory_space<semaphore_mem>>
        tpu.enqueue_indirect_dma source(%dma_start3A_312 : memref<1000000x64xf32, #tpu.memory_space<hbm>>) target(%dma_start3A_306 : memref<128x64xf32, #tpu.memory_space<vmem>>) offsets(%dma_start3A_309 : memref<128xi32, #tpu.memory_space<vmem>>) semaphore(%dma_start3A_314 : memref<!tpu.dma_semaphore, #tpu.memory_space<semaphore_mem>>)
      } else {
      }
      %jit3A_175 = arith.constant 4 : i32
      %div3A_176 = arith.divsi %add3A_165, %jit3A_175 : i32
      %sign3A_177 = arith.constant 0 : i32
      %sign3A_178 = arith.cmpi sgt, %add3A_165, %sign3A_177 : i32
      %sign3A_179 = arith.extui %sign3A_178 : i1 to i32
      %sign3A_180 = arith.constant 0 : i32
      %sign3A_181 = arith.cmpi slt, %add3A_165, %sign3A_180 : i32
      %sign3A_182 = arith.extui %sign3A_181 : i1 to i32
      %sign3A_183 = arith.subi %sign3A_179, %sign3A_182 : i32
      %sign3A_184 = arith.constant 0 : i32
      %sign3A_185 = arith.cmpi sgt, %jit3A_175, %sign3A_184 : i32
      %sign3A_186 = arith.extui %sign3A_185 : i1 to i32
      %sign3A_187 = arith.constant 0 : i32
      %sign3A_188 = arith.cmpi slt, %jit3A_175, %sign3A_187 : i32
      %sign3A_189 = arith.extui %sign3A_188 : i1 to i32
      %sign3A_190 = arith.subi %sign3A_186, %sign3A_189 : i32
      %ne3A_191 = arith.cmpi ne, %sign3A_183, %sign3A_190 : i32
      %rem3A_192 = arith.remsi %add3A_165, %jit3A_175 : i32
      %ne3A_193 = arith.constant 0 : i32
      %ne3A_194 = arith.cmpi ne, %rem3A_192, %ne3A_193 : i32
      %and3A_195 = arith.andi %ne3A_191, %ne3A_194 : i1
      %sub3A_196 = arith.constant 1 : i32
      %sub3A_197 = arith.subi %div3A_176, %sub3A_196 : i32
      %select_n3A_198 = arith.select %and3A_195, %sub3A_197, %div3A_176 : i32
      %dma_wait3A_199 = arith.constant 2 : i32
      %dma_wait3A_200 = arith.constant 2 : i32
      %dma_wait3A_201 = arith.constant 2 : i32
      %dma_wait3A_202 = arith.constant 0 : i32
      %dma_wait3A_203 = arith.constant 0 : i32
      %dma_wait3A_204 = tpu.memref_slice %arg6[%dma_wait3A_200, %dma_wait3A_202, %dma_wait3A_203] : memref<4x128x64xf32, #tpu.memory_space<vmem>> -> memref<1x128x64xf32, #tpu.memory_space<vmem>>
      %dma_wait3A_205 = tpu.memref_squeeze %dma_wait3A_204 : memref<1x128x64xf32, #tpu.memory_space<vmem>> -> memref<128x64xf32, #tpu.memory_space<vmem>>
      %dma_wait3A_206 = arith.constant 0 : i32
      %dma_wait3A_207 = tpu.memref_slice %arg5[%select_n3A_198, %dma_wait3A_199, %dma_wait3A_206] : memref<50x4x128xi32, #tpu.memory_space<vmem>> -> memref<1x1x128xi32, #tpu.memory_space<vmem>>
      %dma_wait3A_208 = tpu.memref_squeeze %dma_wait3A_207 : memref<1x1x128xi32, #tpu.memory_space<vmem>> -> memref<128xi32, #tpu.memory_space<vmem>>
      %dma_wait3A_209 = arith.constant 0 : i32
      %dma_wait3A_210 = arith.constant 0 : i32
      %dma_wait3A_211 = tpu.memref_slice %arg3[%dma_wait3A_209, %dma_wait3A_210] : memref<1000000x64xf32, #tpu.memory_space<hbm>> -> memref<1000000x64xf32, #tpu.memory_space<hbm>>
      %dma_wait3A_212 = tpu.memref_slice %arg8[%dma_wait3A_201] : memref<4x!tpu.dma_semaphore, #tpu.memory_space<semaphore_mem>> -> memref<1x!tpu.dma_semaphore, #tpu.memory_space<semaphore_mem>>
      %dma_wait3A_213 = tpu.memref_squeeze %dma_wait3A_212 : memref<1x!tpu.dma_semaphore, #tpu.memory_space<semaphore_mem>> -> memref<!tpu.dma_semaphore, #tpu.memory_space<semaphore_mem>>
      tpu.wait_indirect_dma semaphore(%dma_wait3A_213 : memref<!tpu.dma_semaphore, #tpu.memory_space<semaphore_mem>>) src(%dma_wait3A_211 : memref<1000000x64xf32, #tpu.memory_space<hbm>>) dst(%dma_wait3A_205 : memref<128x64xf32, #tpu.memory_space<vmem>>)
      %scan3A_214 = arith.constant 0 : i32
      %scan3A_215 = arith.constant 128 : i32
      %scan3A_216 = arith.addi %scan3A_214, %scan3A_215 : i32
      %scan3A_217 = arith.constant 1 : i32
      scf.for %scan3A_276 = %scan3A_214 to %scan3A_216 step %scan3A_217  : i32 {
        %add3A_277 = arith.constant 256 : i32
        %add3A_278 = arith.addi %add3A_277, %scan3A_276 : i32
        %get3A = arith.index_cast %add3A_278 : i32 to index
        %get3A_279 = arith.constant 0 : index
        %get3A_280 = tpu.vector_load %arg7[%get3A, %get3A_279] {strides = array<i32>} : memref<512x64xf32, #tpu.memory_space<vmem>>, vector<1x16xf32>,
        %get3A_281 = vector.shape_cast %get3A_280 : vector<1x16xf32> to vector<16xf32>
        %get3A_282 = arith.constant 2 : i32
        %get3A_283 = arith.index_cast %get3A_282 : i32 to index
        %get3A_284 = arith.index_cast %scan3A_276 : i32 to index
        %get3A_285 = arith.constant 0 : index
        %get3A_286 = tpu.vector_load %arg6[%get3A_283, %get3A_284, %get3A_285] {strides = array<i32>} : memref<4x128x64xf32, #tpu.memory_space<vmem>>, vector<1x1x16xf32>,
        %get3A_287 = vector.shape_cast %get3A_286 : vector<1x1x16xf32> to vector<16xf32>
        %add3A_288 = arith.addf %get3A_281, %get3A_287 : vector<16xf32>
        %add3A_289 = arith.constant 256 : i32
        %add3A_290 = arith.addi %add3A_289, %scan3A_276 : i32
        %swap3A = arith.index_cast %add3A_290 : i32 to index
        %swap3A_291 = arith.constant 0 : index
        %swap3A_292 = tpu.vector_load %arg7[%swap3A, %swap3A_291] {strides = array<i32>} : memref<512x64xf32, #tpu.memory_space<vmem>>, vector<1x16xf32>,
        %swap3A_293 = vector.shape_cast %swap3A_292 : vector<1x16xf32> to vector<16xf32>
        %swap3A_294 = vector.shape_cast %add3A_288 : vector<16xf32> to vector<1x16xf32>
        tpu.vector_store %arg7[%swap3A, %swap3A_291], %swap3A_294 {strides = array<i32>} : memref<512x64xf32, #tpu.memory_space<vmem>>, vector<1x16xf32>,
        %add3A_295 = arith.constant 256 : i32
        %add3A_296 = arith.addi %add3A_295, %scan3A_276 : i32
        %get3A_297 = arith.index_cast %add3A_296 : i32 to index
        %get3A_298 = arith.constant 16 : index
        %get3A_299 = tpu.vector_load %arg7[%get3A_297, %get3A_298] {strides = array<i32>} : memref<512x64xf32, #tpu.memory_space<vmem>>, vector<1x16xf32>,
        %get3A_300 = vector.shape_cast %get3A_299 : vector<1x16xf32> to vector<16xf32>
        %get3A_301 = arith.constant 2 : i32
        %get3A_302 = arith.index_cast %get3A_301 : i32 to index
        %get3A_303 = arith.index_cast %scan3A_276 : i32 to index
        %get3A_304 = arith.constant 16 : index
        %get3A_305 = tpu.vector_load %arg6[%get3A_302, %get3A_303, %get3A_304] {strides = array<i32>} : memref<4x128x64xf32, #tpu.memory_space<vmem>>, vector<1x1x16xf32>,
        %get3A_306 = vector.shape_cast %get3A_305 : vector<1x1x16xf32> to vector<16xf32>
        %add3A_307 = arith.addf %get3A_300, %get3A_306 : vector<16xf32>
        %add3A_308 = arith.constant 256 : i32
        %add3A_309 = arith.addi %add3A_308, %scan3A_276 : i32
        %swap3A_310 = arith.index_cast %add3A_309 : i32 to index
        %swap3A_311 = arith.constant 16 : index
        %swap3A_312 = tpu.vector_load %arg7[%swap3A_310, %swap3A_311] {strides = array<i32>} : memref<512x64xf32, #tpu.memory_space<vmem>>, vector<1x16xf32>,
        %swap3A_313 = vector.shape_cast %swap3A_312 : vector<1x16xf32> to vector<16xf32>
        %swap3A_314 = vector.shape_cast %add3A_307 : vector<16xf32> to vector<1x16xf32>
        tpu.vector_store %arg7[%swap3A_310, %swap3A_311], %swap3A_314 {strides = array<i32>} : memref<512x64xf32, #tpu.memory_space<vmem>>, vector<1x16xf32>,
        %add3A_315 = arith.constant 256 : i32
        %add3A_316 = arith.addi %add3A_315, %scan3A_276 : i32
        %get3A_317 = arith.index_cast %add3A_316 : i32 to index
        %get3A_318 = arith.constant 32 : index
        %get3A_319 = tpu.vector_load %arg7[%get3A_317, %get3A_318] {strides = array<i32>} : memref<512x64xf32, #tpu.memory_space<vmem>>, vector<1x16xf32>,
        %get3A_320 = vector.shape_cast %get3A_319 : vector<1x16xf32> to vector<16xf32>
        %get3A_321 = arith.constant 2 : i32
        %get3A_322 = arith.index_cast %get3A_321 : i32 to index
        %get3A_323 = arith.index_cast %scan3A_276 : i32 to index
        %get3A_324 = arith.constant 32 : index
        %get3A_325 = tpu.vector_load %arg6[%get3A_322, %get3A_323, %get3A_324] {strides = array<i32>} : memref<4x128x64xf32, #tpu.memory_space<vmem>>, vector<1x1x16xf32>,
        %get3A_326 = vector.shape_cast %get3A_325 : vector<1x1x16xf32> to vector<16xf32>
        %add3A_327 = arith.addf %get3A_320, %get3A_326 : vector<16xf32>
        %add3A_328 = arith.constant 256 : i32
        %add3A_329 = arith.addi %add3A_328, %scan3A_276 : i32
        %swap3A_330 = arith.index_cast %add3A_329 : i32 to index
        %swap3A_331 = arith.constant 32 : index
        %swap3A_332 = tpu.vector_load %arg7[%swap3A_330, %swap3A_331] {strides = array<i32>} : memref<512x64xf32, #tpu.memory_space<vmem>>, vector<1x16xf32>,
        %swap3A_333 = vector.shape_cast %swap3A_332 : vector<1x16xf32> to vector<16xf32>
        %swap3A_334 = vector.shape_cast %add3A_327 : vector<16xf32> to vector<1x16xf32>
        tpu.vector_store %arg7[%swap3A_330, %swap3A_331], %swap3A_334 {strides = array<i32>} : memref<512x64xf32, #tpu.memory_space<vmem>>, vector<1x16xf32>,
        %add3A_335 = arith.constant 256 : i32
        %add3A_336 = arith.addi %add3A_335, %scan3A_276 : i32
        %get3A_337 = arith.index_cast %add3A_336 : i32 to index
        %get3A_338 = arith.constant 48 : index
        %get3A_339 = tpu.vector_load %arg7[%get3A_337, %get3A_338] {strides = array<i32>} : memref<512x64xf32, #tpu.memory_space<vmem>>, vector<1x16xf32>,
        %get3A_340 = vector.shape_cast %get3A_339 : vector<1x16xf32> to vector<16xf32>
        %get3A_341 = arith.constant 2 : i32
        %get3A_342 = arith.index_cast %get3A_341 : i32 to index
        %get3A_343 = arith.index_cast %scan3A_276 : i32 to index
        %get3A_344 = arith.constant 48 : index
        %get3A_345 = tpu.vector_load %arg6[%get3A_342, %get3A_343, %get3A_344] {strides = array<i32>} : memref<4x128x64xf32, #tpu.memory_space<vmem>>, vector<1x1x16xf32>,
        %get3A_346 = vector.shape_cast %get3A_345 : vector<1x1x16xf32> to vector<16xf32>
        %add3A_347 = arith.addf %get3A_340, %get3A_346 : vector<16xf32>
        %add3A_348 = arith.constant 256 : i32
        %add3A_349 = arith.addi %add3A_348, %scan3A_276 : i32
        %swap3A_350 = arith.index_cast %add3A_349 : i32 to index
        %swap3A_351 = arith.constant 48 : index
        %swap3A_352 = tpu.vector_load %arg7[%swap3A_350, %swap3A_351] {strides = array<i32>} : memref<512x64xf32, #tpu.memory_space<vmem>>, vector<1x16xf32>,
        %swap3A_353 = vector.shape_cast %swap3A_352 : vector<1x16xf32> to vector<16xf32>
        %swap3A_354 = vector.shape_cast %add3A_347 : vector<16xf32> to vector<1x16xf32>
        tpu.vector_store %arg7[%swap3A_350, %swap3A_351], %swap3A_354 {strides = array<i32>} : memref<512x64xf32, #tpu.memory_space<vmem>>, vector<1x16xf32>,
      }
      %scan3A_218 = arith.constant 128 : i32
      %mul3A_219 = arith.constant 4 : i32
      %mul3A_220 = arith.muli %scan3A_59, %mul3A_219 : i32
      %add3A_221 = arith.constant 3 : i32
      %add3A_222 = arith.addi %mul3A_220, %add3A_221 : i32
      %add3A_223 = arith.constant 4 : i32
      %add3A_224 = arith.addi %add3A_222, %add3A_223 : i32
      %sub3A_225 = arith.constant 1 : i32
      %sub3A_226 = arith.subi %add3A_224, %sub3A_225 : i32
      %lt3A_227 = arith.constant 200 : i32
      %lt3A_228 = arith.cmpi slt, %sub3A_226, %lt3A_227 : i32
      %convert_element_type3A_229 = arith.extui %lt3A_228 : i1 to i32
      %cond3A_230 = arith.constant 0 : i32
      %cond3A_231 = arith.cmpi ne, %convert_element_type3A_229, %cond3A_230 : i32
      scf.if %cond3A_231 {
        %jit3A_276 = arith.constant 4 : i32
        %div3A_277 = arith.divsi %sub3A_226, %jit3A_276 : i32
        %sign3A_278 = arith.constant 0 : i32
        %sign3A_279 = arith.cmpi sgt, %sub3A_226, %sign3A_278 : i32
        %sign3A_280 = arith.extui %sign3A_279 : i1 to i32
        %sign3A_281 = arith.constant 0 : i32
        %sign3A_282 = arith.cmpi slt, %sub3A_226, %sign3A_281 : i32
        %sign3A_283 = arith.extui %sign3A_282 : i1 to i32
        %sign3A_284 = arith.subi %sign3A_280, %sign3A_283 : i32
        %sign3A_285 = arith.constant 0 : i32
        %sign3A_286 = arith.cmpi sgt, %jit3A_276, %sign3A_285 : i32
        %sign3A_287 = arith.extui %sign3A_286 : i1 to i32
        %sign3A_288 = arith.constant 0 : i32
        %sign3A_289 = arith.cmpi slt, %jit3A_276, %sign3A_288 : i32
        %sign3A_290 = arith.extui %sign3A_289 : i1 to i32
        %sign3A_291 = arith.subi %sign3A_287, %sign3A_290 : i32
        %ne3A_292 = arith.cmpi ne, %sign3A_284, %sign3A_291 : i32
        %rem3A_293 = arith.remsi %sub3A_226, %jit3A_276 : i32
        %ne3A_294 = arith.constant 0 : i32
        %ne3A_295 = arith.cmpi ne, %rem3A_293, %ne3A_294 : i32
        %and3A_296 = arith.andi %ne3A_292, %ne3A_295 : i1
        %sub3A_297 = arith.constant 1 : i32
        %sub3A_298 = arith.subi %div3A_277, %sub3A_297 : i32
        %select_n3A_299 = arith.select %and3A_296, %sub3A_298, %div3A_277 : i32
        %dma_start3A_300 = arith.constant 2 : i32
        %dma_start3A_301 = arith.constant 2 : i32
        %dma_start3A_302 = arith.constant 2 : i32
        %dma_start3A_303 = arith.constant 0 : i32
        %dma_start3A_304 = arith.constant 0 : i32
        %dma_start3A_305 = tpu.memref_slice %arg6[%dma_start3A_301, %dma_start3A_303, %dma_start3A_304] : memref<4x128x64xf32, #tpu.memory_space<vmem>> -> memref<1x128x64xf32, #tpu.memory_space<vmem>>
        %dma_start3A_306 = tpu.memref_squeeze %dma_start3A_305 : memref<1x128x64xf32, #tpu.memory_space<vmem>> -> memref<128x64xf32, #tpu.memory_space<vmem>>
        %dma_start3A_307 = arith.constant 0 : i32
        %dma_start3A_308 = tpu.memref_slice %arg5[%select_n3A_299, %dma_start3A_300, %dma_start3A_307] : memref<50x4x128xi32, #tpu.memory_space<vmem>> -> memref<1x1x128xi32, #tpu.memory_space<vmem>>
        %dma_start3A_309 = tpu.memref_squeeze %dma_start3A_308 : memref<1x1x128xi32, #tpu.memory_space<vmem>> -> memref<128xi32, #tpu.memory_space<vmem>>
        %dma_start3A_310 = arith.constant 0 : i32
        %dma_start3A_311 = arith.constant 0 : i32
        %dma_start3A_312 = tpu.memref_slice %arg3[%dma_start3A_310, %dma_start3A_311] : memref<1000000x64xf32, #tpu.memory_space<hbm>> -> memref<1000000x64xf32, #tpu.memory_space<hbm>>
        %dma_start3A_313 = tpu.memref_slice %arg8[%dma_start3A_302] : memref<4x!tpu.dma_semaphore, #tpu.memory_space<semaphore_mem>> -> memref<1x!tpu.dma_semaphore, #tpu.memory_space<semaphore_mem>>
        %dma_start3A_314 = tpu.memref_squeeze %dma_start3A_313 : memref<1x!tpu.dma_semaphore, #tpu.memory_space<semaphore_mem>> -> memref<!tpu.dma_semaphore, #tpu.memory_space<semaphore_mem>>
        tpu.enqueue_indirect_dma source(%dma_start3A_312 : memref<1000000x64xf32, #tpu.memory_space<hbm>>) target(%dma_start3A_306 : memref<128x64xf32, #tpu.memory_space<vmem>>) offsets(%dma_start3A_309 : memref<128xi32, #tpu.memory_space<vmem>>) semaphore(%dma_start3A_314 : memref<!tpu.dma_semaphore, #tpu.memory_space<semaphore_mem>>)
      } else {
      }
      %jit3A_232 = arith.constant 4 : i32
      %div3A_233 = arith.divsi %add3A_222, %jit3A_232 : i32
      %sign3A_234 = arith.constant 0 : i32
      %sign3A_235 = arith.cmpi sgt, %add3A_222, %sign3A_234 : i32
      %sign3A_236 = arith.extui %sign3A_235 : i1 to i32
      %sign3A_237 = arith.constant 0 : i32
      %sign3A_238 = arith.cmpi slt, %add3A_222, %sign3A_237 : i32
      %sign3A_239 = arith.extui %sign3A_238 : i1 to i32
      %sign3A_240 = arith.subi %sign3A_236, %sign3A_239 : i32
      %sign3A_241 = arith.constant 0 : i32
      %sign3A_242 = arith.cmpi sgt, %jit3A_232, %sign3A_241 : i32
      %sign3A_243 = arith.extui %sign3A_242 : i1 to i32
      %sign3A_244 = arith.constant 0 : i32
      %sign3A_245 = arith.cmpi slt, %jit3A_232, %sign3A_244 : i32
      %sign3A_246 = arith.extui %sign3A_245 : i1 to i32
      %sign3A_247 = arith.subi %sign3A_243, %sign3A_246 : i32
      %ne3A_248 = arith.cmpi ne, %sign3A_240, %sign3A_247 : i32
      %rem3A_249 = arith.remsi %add3A_222, %jit3A_232 : i32
      %ne3A_250 = arith.constant 0 : i32
      %ne3A_251 = arith.cmpi ne, %rem3A_249, %ne3A_250 : i32
      %and3A_252 = arith.andi %ne3A_248, %ne3A_251 : i1
      %sub3A_253 = arith.constant 1 : i32
      %sub3A_254 = arith.subi %div3A_233, %sub3A_253 : i32
      %select_n3A_255 = arith.select %and3A_252, %sub3A_254, %div3A_233 : i32
      %dma_wait3A_256 = arith.constant 3 : i32
      %dma_wait3A_257 = arith.constant 3 : i32
      %dma_wait3A_258 = arith.constant 3 : i32
      %dma_wait3A_259 = arith.constant 0 : i32
      %dma_wait3A_260 = arith.constant 0 : i32
      %dma_wait3A_261 = tpu.memref_slice %arg6[%dma_wait3A_257, %dma_wait3A_259, %dma_wait3A_260] : memref<4x128x64xf32, #tpu.memory_space<vmem>> -> memref<1x128x64xf32, #tpu.memory_space<vmem>>
      %dma_wait3A_262 = tpu.memref_squeeze %dma_wait3A_261 : memref<1x128x64xf32, #tpu.memory_space<vmem>> -> memref<128x64xf32, #tpu.memory_space<vmem>>
      %dma_wait3A_263 = arith.constant 0 : i32
      %dma_wait3A_264 = tpu.memref_slice %arg5[%select_n3A_255, %dma_wait3A_256, %dma_wait3A_263] : memref<50x4x128xi32, #tpu.memory_space<vmem>> -> memref<1x1x128xi32, #tpu.memory_space<vmem>>
      %dma_wait3A_265 = tpu.memref_squeeze %dma_wait3A_264 : memref<1x1x128xi32, #tpu.memory_space<vmem>> -> memref<128xi32, #tpu.memory_space<vmem>>
      %dma_wait3A_266 = arith.constant 0 : i32
      %dma_wait3A_267 = arith.constant 0 : i32
      %dma_wait3A_268 = tpu.memref_slice %arg3[%dma_wait3A_266, %dma_wait3A_267] : memref<1000000x64xf32, #tpu.memory_space<hbm>> -> memref<1000000x64xf32, #tpu.memory_space<hbm>>
      %dma_wait3A_269 = tpu.memref_slice %arg8[%dma_wait3A_258] : memref<4x!tpu.dma_semaphore, #tpu.memory_space<semaphore_mem>> -> memref<1x!tpu.dma_semaphore, #tpu.memory_space<semaphore_mem>>
      %dma_wait3A_270 = tpu.memref_squeeze %dma_wait3A_269 : memref<1x!tpu.dma_semaphore, #tpu.memory_space<semaphore_mem>> -> memref<!tpu.dma_semaphore, #tpu.memory_space<semaphore_mem>>
      tpu.wait_indirect_dma semaphore(%dma_wait3A_270 : memref<!tpu.dma_semaphore, #tpu.memory_space<semaphore_mem>>) src(%dma_wait3A_268 : memref<1000000x64xf32, #tpu.memory_space<hbm>>) dst(%dma_wait3A_262 : memref<128x64xf32, #tpu.memory_space<vmem>>)
      %scan3A_271 = arith.constant 0 : i32
      %scan3A_272 = arith.constant 128 : i32
      %scan3A_273 = arith.addi %scan3A_271, %scan3A_272 : i32
      %scan3A_274 = arith.constant 1 : i32
      scf.for %scan3A_276 = %scan3A_271 to %scan3A_273 step %scan3A_274  : i32 {
        %add3A_277 = arith.constant 384 : i32
        %add3A_278 = arith.addi %add3A_277, %scan3A_276 : i32
        %get3A = arith.index_cast %add3A_278 : i32 to index
        %get3A_279 = arith.constant 0 : index
        %get3A_280 = tpu.vector_load %arg7[%get3A, %get3A_279] {strides = array<i32>} : memref<512x64xf32, #tpu.memory_space<vmem>>, vector<1x16xf32>,
        %get3A_281 = vector.shape_cast %get3A_280 : vector<1x16xf32> to vector<16xf32>
        %get3A_282 = arith.constant 3 : i32
        %get3A_283 = arith.index_cast %get3A_282 : i32 to index
        %get3A_284 = arith.index_cast %scan3A_276 : i32 to index
        %get3A_285 = arith.constant 0 : index
        %get3A_286 = tpu.vector_load %arg6[%get3A_283, %get3A_284, %get3A_285] {strides = array<i32>} : memref<4x128x64xf32, #tpu.memory_space<vmem>>, vector<1x1x16xf32>,
        %get3A_287 = vector.shape_cast %get3A_286 : vector<1x1x16xf32> to vector<16xf32>
        %add3A_288 = arith.addf %get3A_281, %get3A_287 : vector<16xf32>
        %add3A_289 = arith.constant 384 : i32
        %add3A_290 = arith.addi %add3A_289, %scan3A_276 : i32
        %swap3A = arith.index_cast %add3A_290 : i32 to index
        %swap3A_291 = arith.constant 0 : index
        %swap3A_292 = tpu.vector_load %arg7[%swap3A, %swap3A_291] {strides = array<i32>} : memref<512x64xf32, #tpu.memory_space<vmem>>, vector<1x16xf32>,
        %swap3A_293 = vector.shape_cast %swap3A_292 : vector<1x16xf32> to vector<16xf32>
        %swap3A_294 = vector.shape_cast %add3A_288 : vector<16xf32> to vector<1x16xf32>
        tpu.vector_store %arg7[%swap3A, %swap3A_291], %swap3A_294 {strides = array<i32>} : memref<512x64xf32, #tpu.memory_space<vmem>>, vector<1x16xf32>,
        %add3A_295 = arith.constant 384 : i32
        %add3A_296 = arith.addi %add3A_295, %scan3A_276 : i32
        %get3A_297 = arith.index_cast %add3A_296 : i32 to index
        %get3A_298 = arith.constant 16 : index
        %get3A_299 = tpu.vector_load %arg7[%get3A_297, %get3A_298] {strides = array<i32>} : memref<512x64xf32, #tpu.memory_space<vmem>>, vector<1x16xf32>,
        %get3A_300 = vector.shape_cast %get3A_299 : vector<1x16xf32> to vector<16xf32>
        %get3A_301 = arith.constant 3 : i32
        %get3A_302 = arith.index_cast %get3A_301 : i32 to index
        %get3A_303 = arith.index_cast %scan3A_276 : i32 to index
        %get3A_304 = arith.constant 16 : index
        %get3A_305 = tpu.vector_load %arg6[%get3A_302, %get3A_303, %get3A_304] {strides = array<i32>} : memref<4x128x64xf32, #tpu.memory_space<vmem>>, vector<1x1x16xf32>,
        %get3A_306 = vector.shape_cast %get3A_305 : vector<1x1x16xf32> to vector<16xf32>
        %add3A_307 = arith.addf %get3A_300, %get3A_306 : vector<16xf32>
        %add3A_308 = arith.constant 384 : i32
        %add3A_309 = arith.addi %add3A_308, %scan3A_276 : i32
        %swap3A_310 = arith.index_cast %add3A_309 : i32 to index
        %swap3A_311 = arith.constant 16 : index
        %swap3A_312 = tpu.vector_load %arg7[%swap3A_310, %swap3A_311] {strides = array<i32>} : memref<512x64xf32, #tpu.memory_space<vmem>>, vector<1x16xf32>,
        %swap3A_313 = vector.shape_cast %swap3A_312 : vector<1x16xf32> to vector<16xf32>
        %swap3A_314 = vector.shape_cast %add3A_307 : vector<16xf32> to vector<1x16xf32>
        tpu.vector_store %arg7[%swap3A_310, %swap3A_311], %swap3A_314 {strides = array<i32>} : memref<512x64xf32, #tpu.memory_space<vmem>>, vector<1x16xf32>,
        %add3A_315 = arith.constant 384 : i32
        %add3A_316 = arith.addi %add3A_315, %scan3A_276 : i32
        %get3A_317 = arith.index_cast %add3A_316 : i32 to index
        %get3A_318 = arith.constant 32 : index
        %get3A_319 = tpu.vector_load %arg7[%get3A_317, %get3A_318] {strides = array<i32>} : memref<512x64xf32, #tpu.memory_space<vmem>>, vector<1x16xf32>,
        %get3A_320 = vector.shape_cast %get3A_319 : vector<1x16xf32> to vector<16xf32>
        %get3A_321 = arith.constant 3 : i32
        %get3A_322 = arith.index_cast %get3A_321 : i32 to index
        %get3A_323 = arith.index_cast %scan3A_276 : i32 to index
        %get3A_324 = arith.constant 32 : index
        %get3A_325 = tpu.vector_load %arg6[%get3A_322, %get3A_323, %get3A_324] {strides = array<i32>} : memref<4x128x64xf32, #tpu.memory_space<vmem>>, vector<1x1x16xf32>,
        %get3A_326 = vector.shape_cast %get3A_325 : vector<1x1x16xf32> to vector<16xf32>
        %add3A_327 = arith.addf %get3A_320, %get3A_326 : vector<16xf32>
        %add3A_328 = arith.constant 384 : i32
        %add3A_329 = arith.addi %add3A_328, %scan3A_276 : i32
        %swap3A_330 = arith.index_cast %add3A_329 : i32 to index
        %swap3A_331 = arith.constant 32 : index
        %swap3A_332 = tpu.vector_load %arg7[%swap3A_330, %swap3A_331] {strides = array<i32>} : memref<512x64xf32, #tpu.memory_space<vmem>>, vector<1x16xf32>,
        %swap3A_333 = vector.shape_cast %swap3A_332 : vector<1x16xf32> to vector<16xf32>
        %swap3A_334 = vector.shape_cast %add3A_327 : vector<16xf32> to vector<1x16xf32>
        tpu.vector_store %arg7[%swap3A_330, %swap3A_331], %swap3A_334 {strides = array<i32>} : memref<512x64xf32, #tpu.memory_space<vmem>>, vector<1x16xf32>,
        %add3A_335 = arith.constant 384 : i32
        %add3A_336 = arith.addi %add3A_335, %scan3A_276 : i32
        %get3A_337 = arith.index_cast %add3A_336 : i32 to index
        %get3A_338 = arith.constant 48 : index
        %get3A_339 = tpu.vector_load %arg7[%get3A_337, %get3A_338] {strides = array<i32>} : memref<512x64xf32, #tpu.memory_space<vmem>>, vector<1x16xf32>,
        %get3A_340 = vector.shape_cast %get3A_339 : vector<1x16xf32> to vector<16xf32>
        %get3A_341 = arith.constant 3 : i32
        %get3A_342 = arith.index_cast %get3A_341 : i32 to index
        %get3A_343 = arith.index_cast %scan3A_276 : i32 to index
        %get3A_344 = arith.constant 48 : index
        %get3A_345 = tpu.vector_load %arg6[%get3A_342, %get3A_343, %get3A_344] {strides = array<i32>} : memref<4x128x64xf32, #tpu.memory_space<vmem>>, vector<1x1x16xf32>,
        %get3A_346 = vector.shape_cast %get3A_345 : vector<1x1x16xf32> to vector<16xf32>
        %add3A_347 = arith.addf %get3A_340, %get3A_346 : vector<16xf32>
        %add3A_348 = arith.constant 384 : i32
        %add3A_349 = arith.addi %add3A_348, %scan3A_276 : i32
        %swap3A_350 = arith.index_cast %add3A_349 : i32 to index
        %swap3A_351 = arith.constant 48 : index
        %swap3A_352 = tpu.vector_load %arg7[%swap3A_350, %swap3A_351] {strides = array<i32>} : memref<512x64xf32, #tpu.memory_space<vmem>>, vector<1x16xf32>,
        %swap3A_353 = vector.shape_cast %swap3A_352 : vector<1x16xf32> to vector<16xf32>
        %swap3A_354 = vector.shape_cast %add3A_347 : vector<16xf32> to vector<1x16xf32>
        tpu.vector_store %arg7[%swap3A_350, %swap3A_351], %swap3A_354 {strides = array<i32>} : memref<512x64xf32, #tpu.memory_space<vmem>>, vector<1x16xf32>,
      }
      %scan3A_275 = arith.constant 128 : i32
    }
    %scan3A_58 = arith.constant 50 : i32
    "tpu.region"() ({
      %run_scoped3A = tpu.sem_alloc : memref<!tpu.dma_semaphore, #tpu.memory_space<semaphore_mem>>
      %dma_start3A_59 = arith.constant 0 : i32
      %dma_start3A_60 = tpu.memref_slice %arg4[%mul3A_2, %dma_start3A_59] : memref<16384x64xf32, #tpu.memory_space<hbm>> -> memref<512x64xf32, #tpu.memory_space<hbm>>
      %dma_start3A_61 = arith.constant 0 : i32
      %dma_start3A_62 = tpu.memref_slice %arg4[%mul3A_2, %dma_start3A_61] : memref<16384x64xf32, #tpu.memory_space<hbm>> -> memref<512x64xf32, #tpu.memory_space<hbm>>
      tpu.enqueue_dma source(%arg7 : memref<512x64xf32, #tpu.memory_space<vmem>>) target(%dma_start3A_62 : memref<512x64xf32, #tpu.memory_space<hbm>>) target_semaphore(%run_scoped3A : memref<!tpu.dma_semaphore, #tpu.memory_space<semaphore_mem>>)
      %dma_wait3A = arith.constant 0 : i32
      %dma_wait3A_63 = tpu.memref_slice %arg4[%mul3A_2, %dma_wait3A] : memref<16384x64xf32, #tpu.memory_space<hbm>> -> memref<512x64xf32, #tpu.memory_space<hbm>>
      %dma_wait3A_64 = arith.constant 0 : i32
      %dma_wait3A_65 = tpu.memref_slice %arg4[%mul3A_2, %dma_wait3A_64] : memref<16384x64xf32, #tpu.memory_space<hbm>> -> memref<512x64xf32, #tpu.memory_space<hbm>>
      tpu.wait_dma2 semaphore(%run_scoped3A : memref<!tpu.dma_semaphore, #tpu.memory_space<semaphore_mem>>) src(%arg7 : memref<512x64xf32, #tpu.memory_space<vmem>>) dst(%dma_wait3A_65 : memref<512x64xf32, #tpu.memory_space<hbm>>)
      tpu.yield
    }) : () -> ()
    return
  }
}

module attributes {stable_mosaic.version = 14 : i64} {
  func.func @_mlp_body(%arg0: i32, %arg1: memref<2048x64xf32, #tpu.memory_space<vmem>>, %arg2: memref<128x64xf32, #tpu.memory_space<vmem>>, %arg3: memref<1x128xf32, #tpu.memory_space<vmem>>, %arg4: memref<8x128xf32, #tpu.memory_space<vmem>>, %arg5: memref<1x8xf32, #tpu.memory_space<vmem>>, %arg6: memref<2048x8xf32, #tpu.memory_space<vmem>>) attributes {dimension_semantics = [#tpu.dimension_semantics<arbitrary>], iteration_bounds = array<i64: 8>, scalar_prefetch = 0 : i64, scratch_operands = 0 : i64, tpu.core_type = #tpu.core_type<tc>, window_params = [{transform_indices = @transform_0, window_bounds = array<i64: 2048, 64>}, {pipeline_mode = #tpu.pipeline_mode<synchronous>, transform_indices = @transform_1, window_bounds = array<i64: 128, 64>}, {pipeline_mode = #tpu.pipeline_mode<synchronous>, transform_indices = @transform_2, window_bounds = array<i64: 1, 128>}, {pipeline_mode = #tpu.pipeline_mode<synchronous>, transform_indices = @transform_3, window_bounds = array<i64: 8, 128>}, {pipeline_mode = #tpu.pipeline_mode<synchronous>, transform_indices = @transform_4, window_bounds = array<i64: 1, 8>}, {transform_indices = @transform_5, window_bounds = array<i64: 2048, 8>}]} {
    %get3A = arith.constant 0 : index
    %get3A_0 = arith.constant 0 : index
    %get3A_1 = vector.load %arg1[%get3A, %get3A_0] : memref<2048x64xf32, #tpu.memory_space<vmem>>, vector<2048x64xf32>
    %mul3A = arith.constant 2.000000e-02 : f32
    %mul3A_2 = vector.broadcast %mul3A : f32 to vector<2048x64xf32>
    %mul3A_3 = arith.mulf %get3A_1, %mul3A_2 : vector<2048x64xf32>
    %get3A_4 = arith.constant 0 : index
    %get3A_5 = arith.constant 0 : index
    %get3A_6 = vector.load %arg2[%get3A_4, %get3A_5] : memref<128x64xf32, #tpu.memory_space<vmem>>, vector<128x64xf32>
    %dot_general3A = arith.constant dense<0.000000e+00> : vector<2048x128xf32>
    %dot_general3A_7 = tpu.matmul %mul3A_3, %get3A_6, %dot_general3A {dimension_numbers = #tpu.dot_dimension_numbers<[1], [1], [0], [0], [0, 0, 1, 0], [], []>, transpose_lhs_hint = false} : vector<2048x64xf32>, vector<128x64xf32>, vector<2048x128xf32> -> vector<2048x128xf32>
    %get3A_8 = arith.constant 0 : index
    %get3A_9 = arith.constant 0 : index
    %get3A_10 = vector.load %arg3[%get3A_8, %get3A_9] : memref<1x128xf32, #tpu.memory_space<vmem>>, vector<1x128xf32>
    %add3A = vector.broadcast %get3A_10 : vector<1x128xf32> to vector<2048x128xf32>
    %add3A_11 = arith.addf %dot_general3A_7, %add3A : vector<2048x128xf32>
    %max3A = arith.constant 0.000000e+00 : f32
    %max3A_12 = vector.broadcast %max3A : f32 to vector<2048x128xf32>
    %max3A_13 = arith.maximumf %add3A_11, %max3A_12 : vector<2048x128xf32>
    %get3A_14 = arith.constant 0 : index
    %get3A_15 = arith.constant 0 : index
    %get3A_16 = vector.load %arg4[%get3A_14, %get3A_15] : memref<8x128xf32, #tpu.memory_space<vmem>>, vector<8x128xf32>
    %dot_general3A_17 = arith.constant dense<0.000000e+00> : vector<2048x8xf32>
    %dot_general3A_18 = tpu.matmul %max3A_13, %get3A_16, %dot_general3A_17 {dimension_numbers = #tpu.dot_dimension_numbers<[1], [1], [0], [0], [0, 0, 1, 0], [], []>, transpose_lhs_hint = false} : vector<2048x128xf32>, vector<8x128xf32>, vector<2048x8xf32> -> vector<2048x8xf32>
    %get3A_19 = arith.constant 0 : index
    %get3A_20 = arith.constant 0 : index
    %get3A_21 = vector.load %arg5[%get3A_19, %get3A_20] : memref<1x8xf32, #tpu.memory_space<vmem>>, vector<1x8xf32>
    %add3A_22 = vector.broadcast %get3A_21 : vector<1x8xf32> to vector<2048x8xf32>
    %add3A_23 = arith.addf %dot_general3A_18, %add3A_22 : vector<2048x8xf32>
    %swap3A = arith.constant 0 : index
    %swap3A_24 = arith.constant 0 : index
    %swap3A_25 = vector.load %arg6[%swap3A, %swap3A_24] : memref<2048x8xf32, #tpu.memory_space<vmem>>, vector<2048x8xf32>
    tpu.vector_store %arg6[%swap3A, %swap3A_24], %add3A_23 {strides = array<i32>} : memref<2048x8xf32, #tpu.memory_space<vmem>>, vector<2048x8xf32>,
    return
  }
  func.func @transform_0(%arg0: i32) -> (i32, i32) {
    %c0_i32 = arith.constant 0 : i32
    %c0_i32_0 = arith.constant 0 : i32
    return %arg0, %c0_i32 : i32, i32
  }
  func.func @transform_1(%arg0: i32) -> (i32, i32) {
    %c0_i32 = arith.constant 0 : i32
    %c0_i32_0 = arith.constant 0 : i32
    %c0_i32_1 = arith.constant 0 : i32
    return %c0_i32, %c0_i32_0 : i32, i32
  }
  func.func @transform_2(%arg0: i32) -> (i32, i32) {
    %c0_i32 = arith.constant 0 : i32
    %c0_i32_0 = arith.constant 0 : i32
    %c0_i32_1 = arith.constant 0 : i32
    return %c0_i32, %c0_i32_0 : i32, i32
  }
  func.func @transform_3(%arg0: i32) -> (i32, i32) {
    %c0_i32 = arith.constant 0 : i32
    %c0_i32_0 = arith.constant 0 : i32
    %c0_i32_1 = arith.constant 0 : i32
    return %c0_i32, %c0_i32_0 : i32, i32
  }
  func.func @transform_4(%arg0: i32) -> (i32, i32) {
    %c0_i32 = arith.constant 0 : i32
    %c0_i32_0 = arith.constant 0 : i32
    %c0_i32_1 = arith.constant 0 : i32
    return %c0_i32, %c0_i32_0 : i32, i32
  }
  func.func @transform_5(%arg0: i32) -> (i32, i32) {
    %c0_i32 = arith.constant 0 : i32
    %c0_i32_0 = arith.constant 0 : i32
    return %arg0, %c0_i32 : i32, i32
  }
}

</mosaic_0001>

<sc_bundles>
// kernel: kernel.4.cloned.1.call-start
scs
__scs_entry_jumppad:
0x0: {  	(pc) =	sbr.rel $0x88, $3  }
0x1: {  	(tag) =	ssettag $0x0;
	lr =	simm.s32 $0x1  }
0x2: {  	[smem:$0x3F9B] =	sst lr;
	_ =	strace $0xD0000000  }
0x3: {  	_ = 	snop  }
0x4: {  	_ = 	snop  }
0x5: {  	_ = 	snop  }
0x6: {  	_ = 	snop  }
0x7: {  	_ = 	snop  }
__scs_overlays_trampoline_lowered:
0x8: {  	[smem:$0x3FAA] =	sst s0  }
0x9: {  	[smem:$0x3FAB] =	sst s1  }
0xa: {  	[smem:$0x3FAC] =	sst s2  }
0xb: {  	[smem:$0x3FAD] =	sst s3  }
0xc: {  	[smem:$0x3FAE] =	sst s4  }
0xd: {  	[smem:$0x3FAF] =	sst s5  }
0xe: {  	[smem:$0x3FB0] =	sst s6  }
0xf: {  	[smem:$0x3FB1] =	sst s7  }
0x10: {  	[smem:$0x3FB2] =	sst s8  }
0x11: {  	[smem:$0x3FB3] =	sst s9;
	s0 =	simm.s32 @!p0 $0x0  }
0x12: {  	s1 =	sld [smem:$0x3F99];
	s0 =	simm.s32 @p0 $0x1  }
0x13: {  	[smem:$0x3FB4] =	sst s0;
	s0 =	simm.s32 @!p1 $0x0  }
0x14: {  	s2 =	sld [smem:$0x3F98];
	s0 =	simm.s32 @p1 $0x1  }
0x15: {  	[smem:$0x3FB5] =	sst s0;
	s0 =	simm.s32 @!p2 $0x0  }
0x16: {  	s3 =	sld [smem:$0x3FDB];
	s0 =	simm.s32 @p2 $0x1  }
0x17: {  	s4 =	simm.s32 $0x1BF5;
	[smem:$0x3FB7] =	sst s0  }
0x18: {  	s0 =	sld [smem:$0x3F9A];
	_ =	swait.ge [sflag:s4], $0x0  }
0x19: {  	s7 =	sld [smem:$0x3F9B]  }
0x1a: {  	s8 =	sadd.s32 $0xFFFFE003, lr  }
0x1b: {  	s9 =	sadd.s32 $0xFFFFFEF7, lr;
	s5 =	simm.s32 $0xFFFFFFFF;
	p2 =	slt.u32 s8, $0xFFFFF086  }
0x1c: {  	p1 =	slt.u32 s9, $0xF7A;
	s5 =	simm.s32 @!p2 $0x0  }
0x1d: {  	s5 =	simm.s32 @p1 $0x1;
	p0 =	seq.s32 s7, s2  }
0x1e: {  	s7 =	smul.u32 @!p0 $0xF7A, s2;
	p2 =	seq.s32 @!p0 s5, $0x0  }
0x1f: {  	s9 =	smul.u32 $0xF7A, s1;
	s8 =	simm.s32 @!p0 $0x1BF5;
	p2 =	por !p2, p0  }
0x20: {  	[sflag:s8] =	ssyncset.s32 @!p0 $0xFFFFF086;
	s6 =	sadd.s32 @!p0 s3, s7;
	s7 =	simm.s32 @!p0 $0x108  }
0x21: {  	s3 =	sadd.s32 s3, s9;
	s6 =	sadd.s32 @!p0 $0x88, s6;
	s7 =	simm.s32 @p2 $0x1082  }
0x22: {  	[simem:s7], [sflag:s8] =	dma.local @!p0 [hbm:s6], $0xF7A  }
0x23: {  	s9 =	sor.u32 $0xD0000000, s2;
	s6 =	simm.s32 $0x108;
	_ =	swait.ge @!p0 [sflag:s8], $0x0  }
0x24: {  	s3 =	sadd.s32 $0x88, s3;
	s6 =	simm.s32 @!p1 $0x1082;
	[sflag:s4] =	ssyncset.s32 $0xFFFFF086  }
0x25: {  	[simem:s6], [sflag:s4] =	dma.local [hbm:s3], $0xF7A  }
0x26: {  	[smem:$0x3F9B] =	sst s1;
	(tag) =	ssettag s2;
	_ =	strace s9  }
0x27: {  	s1 =	sld [smem:$0x3FAB]  }
0x28: {  	s2 =	sld [smem:$0x3FAC]  }
0x29: {  	s4 =	sld [smem:$0x3FAE]  }
0x2a: {  	p0 =	seq.s32 s5, $0x0;
	s5 =	sld [smem:$0x3FAF]  }
0x2b: {  	s6 =	sld [smem:$0x3FB0]  }
0x2c: {  	s7 =	sld [smem:$0x3FB1]  }
0x2d: {  	s3 =	simm.s32 $0x108;
	s8 =	sld [smem:$0x3FB2]  }
0x2e: {  	s3 =	simm.s32 @!p0 $0x1082;
	s9 =	sld [smem:$0x3FB3]  }
0x2f: {  	lr =	sadd.s32 s0, s3;
	s0 =	sld [smem:$0x3FAA]  }
0x30: {  	s3 =	sld [smem:$0x3FAD]  }
0x31: {  	[smem:$0x3FB6] =	sst s10  }
0x32: {  	s10 =	sld [smem:$0x3FB4];
	_ =	sdelay $0x3  }
0x33: {  	p0 =	seq.s32 s10, $0x1;
	s10 =	sld [smem:$0x3FB6];
	_ =	sdelay $0x3  }
0x34: {  	[smem:$0x3FB6] =	sst s10  }
0x35: {  	s10 =	sld [smem:$0x3FB5];
	_ =	sdelay $0x3  }
0x36: {  	p1 =	seq.s32 s10, $0x1;
	s10 =	sld [smem:$0x3FB6];
	_ =	sdelay $0x3  }
0x37: {  	[smem:$0x3FB6] =	sst s10  }
0x38: {  	s10 =	sld [smem:$0x3FB7]  }
0x39: {  	_ = 	snop;
	(pc) =	sbr.ind lr, $3  }
0x3a: {  	_ = 	snop  }
0x3b: {  	_ = 	snop  }
0x3c: {  	p2 =	seq.s32 s10, $0x1;
	s10 =	sld [smem:$0x3FB6]  }
0x3d: {  	_ =	shalt  }
0x3e: {  	_ =	shalt  }
0x3f: {  	_ =	shalt  }
0x40: {  	_ =	shalt  }
0x41: {  	_ =	shalt  }
0x42: {  	_ =	shalt  }
0x43: {  	_ =	shalt  }
0x44: {  	_ =	shalt  }
0x45: {  	_ =	shalt  }
0x46: {  	_ =	shalt  }
0x47: {  	_ =	shalt  }
0x48: {  	_ =	shalt  }
0x49: {  	_ =	shalt  }
0x4a: {  	_ =	shalt  }
0x4b: {  	_ =	shalt  }
0x4c: {  	_ =	shalt  }
0x4d: {  	_ =	shalt  }
0x4e: {  	_ =	shalt  }
0x4f: {  	_ =	shalt  }
0x50: {  	_ =	shalt  }
0x51: {  	_ =	shalt  }
0x52: {  	_ =	shalt  }
0x53: {  	_ =	shalt  }
0x54: {  	_ =	shalt  }
0x55: {  	_ =	shalt  }
0x56: {  	_ =	shalt  }
0x57: {  	_ =	shalt  }
0x58: {  	_ =	shalt  }
0x59: {  	_ =	shalt  }
0x5a: {  	_ =	shalt  }
0x5b: {  	_ =	shalt  }
0x5c: {  	_ =	shalt  }
0x5d: {  	_ =	shalt  }
0x5e: {  	_ =	shalt  }
0x5f: {  	_ =	shalt  }
0x60: {  	_ =	shalt  }
0x61: {  	_ =	shalt  }
0x62: {  	_ =	shalt  }
0x63: {  	_ =	shalt  }
0x64: {  	_ =	shalt  }
0x65: {  	_ =	shalt  }
0x66: {  	_ =	shalt  }
0x67: {  	_ =	shalt  }
0x68: {  	_ =	shalt  }
0x69: {  	_ =	shalt  }
0x6a: {  	_ =	shalt  }
0x6b: {  	_ =	shalt  }
0x6c: {  	_ =	shalt  }
0x6d: {  	_ =	shalt  }
0x6e: {  	_ =	shalt  }
0x6f: {  	_ =	shalt  }
0x70: {  	_ =	shalt  }
0x71: {  	_ =	shalt  }
0x72: {  	_ =	shalt  }
0x73: {  	_ =	shalt  }
0x74: {  	_ =	shalt  }
0x75: {  	_ =	shalt  }
0x76: {  	_ =	shalt  }
0x77: {  	_ =	shalt  }
0x78: {  	_ =	shalt  }
0x79: {  	_ =	shalt  }
0x7a: {  	_ =	shalt  }
0x7b: {  	_ =	shalt  }
0x7c: {  	_ =	shalt  }
0x7d: {  	_ =	shalt  }
0x7e: {  	_ =	shalt  }
0x7f: {  	_ =	shalt  }
0x80: {  	_ =	shalt  }
0x81: {  	_ =	shalt  }
0x82: {  	_ =	shalt  }
0x83: {  	_ =	shalt  }
0x84: {  	_ =	shalt  }
0x85: {  	_ =	shalt  }
0x86: {  	_ =	shalt  }
0x87: {  	_ =	shalt  }
.Lfunc_end0:
.L_simem_size_0:
called_computation_lowered:
.L_overlay_start_0:
0x88: {  	s2 =	sld [smem:$0x3FD9]  }
0x89: {  	s3 =	sld [smem:$0x3FFE];
	_ =	sdelay $0x1  }
0x8a: {  	s1 =	srdreg.scid  }
0x8b: {  	s0 =	sand.u32 $0x1, s1  }
0x8c: {  	s16 =	sshll.u32 s0, $0xA;
	s2 =	sadd.s32 s3, s2  }
0x8d: {  	s2 =	sadd.s32 s2, s16  }
0x8e: {  	[smem:$0x3FC2] =	sst s2  }
0x8f: {  	_ = 	snop  }
0x90: {  	(tm) =	ssettm $0x1  }
0x91: {  	s17 =	sld [smem:$0x3FFB];
	_ =	sdelay $0x3  }
0x92: {  	_ =	strace s17  }
0x93: {  	s2 =	sld [smem:$0x3FFC];
	_ =	sdelay $0x3  }
0x94: {  	_ =	strace s2  }
0x95: {  	s2 =	sld [smem:$0x3FFD];
	_ =	sdelay $0x3  }
0x96: {  	_ =	strace s2  }
0x97: {  	_ =	strace $0x8FFFFFFF  }
0x98: {  	s18 =	sld [smem:$0x3FDB];
	_ =	sdelay $0x1  }
0x99: {  	s19 =	simm.s32 $_scs_section_size  }
0x9a: {  	s4 =	simm.s32 $_size__tile_overlayer_lowered;
	s5 =	simm.s32 $_tile_overlayer_lowered  }
0x9b: {  	s22 =	simm.s32 $0x1BFF;
	s21 =	sshll.u32 s5, $0x1;
	s2 =	sadd.s32 s19, s18  }
0x9c: {  	s6 =	simm.s32 $0x0;
	s20 =	sshll.u32 s4, $0x1;
	s4 =	sadd.s32 s21, s2  }
0x9d: {  	[timem:s6], [sflag:s22] =	dma.local [hbm:s4], s20  }
0x9e: {  	_ =	swait.ge [sflag:s22], s20  }
0x9f: {  	s3 =	ssub.s32 $0x0, s20;
	[sflag:s22] =	ssyncset.done $0x0  }
0xa0: {  	[sflag:s22] =	ssyncadd.s32 s3;
	_ =	sdelay $0x1  }
0xa1: {  	s23 =	simm.s32 $0x1B8B  }
0xa2: {  	_ =	swait.ge [sflag:s23], $0x1  }
0xa3: {  	[sflag:s23] =	ssyncset.done $0x0  }
0xa4: {  	s25 =	simm.s32 $0x1B8E;
	s24 =	sld [smem:$0x3FFE];
	[sflag:s23] =	ssyncadd.s32 $0xFFFFFFFF  }
0xa5: {  	s26 =	simm.s32 $execute0_lowered;
	[smem:$0x3FD2] =	sst s25  }
0xa6: {  	s4 =	sshll.u32 s26, $0x1;
	_ =	strace $0x80000046;
	[dreg:$0x1] =	wrdreg $0xFFFFFFFF  }
0xa7: {  	s28 =	simm.s32 $_size_execute0_lowered;
	s2 =	sadd.s32 s2, s4;
	[dreg:$0x0] =	wrdreg $0x0  }
0xa8: {  	s4 =	sshll.u32 s28, $0x1;
	[dreg:$0x2] =	wrdreg s2  }
0xa9: {  	[dreg:$0x3] =	wrdreg s4  }
0xaa: {  	[dreg:$0x4] =	wrdreg $0xC0  }
0xab: {  	_ =	task [dreg:s6], $0x5FFFF  }
0xac: {  	[dreg:$0x1] =	wrdreg $0xFFFFFFFF  }
0xad: {  	[dreg:$0x0] =	wrdreg $0x60  }
0xae: {  	[dreg:$0x2] =	wrdreg s24  }
0xaf: {  	[dreg:$0x3] =	wrdreg $0x9  }
0xb0: {  	_ =	task.clear_ibuf [dreg:s6], $0x4FFFF;
	_ =	strace $0x90000046  }
0xb1: {  	s29 =	simm.s32 $0x9;
	_ =	strace $0x80000048  }
0xb2: {  	_ =	swait.ge [sflag:s29], $0x1  }
0xb3: {  	[sflag:s29] =	ssyncadd.s32 $0xFFFFFFFF  }
0xb4: {  	_ =	strace $0x90000048  }
0xb5: {  	_ =	sfence  }
0xb6: {  	s30 =	sld [smem:$0x0];
	_ =	sdelay $0x2  }
0xb7: {  	s31 =	sshll.u32 s1, $0xD;
	s1 =	sshrl.u32 s1, $0x2  }
0xb8: {  	s3 =	sand.u32 $0x4000, s31;
	s1 =	sadd.s32 s1, s30  }
0xb9: {  	s0 =	sor.u32 s3, s0;
	s1 =	sshll.u32 s1, $0x11  }
0xba: {  	s0 =	sor.u32 s1, s0  }
0xbb: {  	s0 =	sadd.s32 $0x8F2B, s0  }
0xbc: {  	[sflag:s0] =	ssyncadd.remote.s32 $0x1  }
0xbd: {  	_ =	sfence.sel $0xFFFF  }
0xbe: {  	[dreg:$0x0] =	wrdreg $0xFFFFFFFF;
	(pc) =	sbr.abs _section_cstart, $3  }
0xbf: {  	[dreg:$0x1] =	wrdreg $0xFFFFFFFF  }
0xc0: {  	_ =	task.clear_ibuf [dreg:s6], $0x2FFFF;
	_ =	strace $0x9FFFFFFF  }
0xc1: {  	(tm) =	ssettm $0x7FFFFFFF  }
tec
execute0_lowered:
.L_overlay_start_1:
0x0: {  	(tag) =	ssettag $0x1  }
0x1: {  	s4 =	rddreg [dreg:$0x0];
	s2 =	srdreg.scid  }
0x2: {  	s0 =	rddreg [dreg:$0x1];
	s1 =	stileid.u32  }
0x3: {  	s9 =	simm.s32 $0x5;
	s10 =	simm.s32 $0x80;
	s11 =	simm.s32 $0x6400  }
0x4: {  	s12 =	simm.s32 $0x8400;
	s13 =	simm.s32 $0x100;
	s14 =	simm.s32 $0xA400  }
0x5: {  	s15 =	simm.s32 $0xC400;
	s16 =	simm.s32 $0x1;
	s17 =	simm.s32 $0x2  }
0x6: {  	s18 =	simm.s32 $0x3;
	s19 =	simm.s32 $0x4;
	s20 =	simm.s32 $0xE400  }
0x7: {  	s21 =	simm.s32 $0x0;
	s3 =	sand.u32 $0x1, s2;
	s2 =	simm.s32 $0x0  }
0x8: {  	s5 =	sshll.u32 s1, $0xA;
	s6 =	sshll.u32 s3, $0x9;
	[smem:$0x7FF] =	sst s2  }
0x9: {  	s7 =	ssub.s32 $0x2, s3;
	s3 =	sadd.s32 $0xF43000, s4;
	s5 =	sor.u32 s6, s5  }
0xa: {  	_ =	strace $0x80000047;
	s8 =	sshrl.u32 s7, $0x1;
	s6 =	sshrl.u32 s5, $0x3  }
0xb: {  	s5 =	sshll.u32 s5, $0x3;
	s7 =	ssub.s32 s7, s8;
	s6 =	sadd.s32 s6, s4  }
0xc: {  	s8 =	simm.s32 $0x4000;
	s5 =	sadd.s32 s5, s4;
	s4 =	sadd.s32 $0xC00, s6  }
0xd: {  	v0 =	vimm.f32 $0.0e+00;
	s5 =	sadd.s32 $0x19C00, s5;
	s6 =	smax.u32 s7, $0x1;
	s7 =	simm.s32 $0x200  }
.LBB2_1:
0xe: {  	[tilespmem:s2], [sflag:$0x5] =	stream.strided.gather [hbm4b:s4+s7], $0x6400, s8, s7, $0x38;
	[tilespmem:$0x16400] =	vst v63  }
0xf: {  	_ =	swait.ge [sflag:s9], $0x6400  }
0x10: {  	[sflag:s9] =	ssyncset.done $0x0  }
0x11: {  	[sflag:s9] =	ssyncadd.s32 $0xFFFF9C00  }
0x12: {  	[tilespmem:s11], [sflag:$0x1] =	stream.indirect.gather [hbm4b:s3+s10], $0x40, s2, s10, $0xb8;
	[tilespmem:$0x16400] =	vst v63  }
0x13: {  	_ = 	snop  }
0x14: {  	[tilespmem:s12], [sflag:$0x2] =	stream.indirect.gather [hbm4b:s3+s10], $0x40, s10, s10, $0xb8;
	[tilespmem:$0x16400] =	vst v63  }
0x15: {  	s22 =	simm.s32 $0x100;
	s23 =	simm.s32 $0x0  }
0x16: {  	[tilespmem:s14], [sflag:$0x3] =	stream.indirect.gather [hbm4b:s3+s10], $0x40, s13, s10, $0xb8;
	[tilespmem:$0x16400] =	vst v63  }
.LBB2_2:
0x17: {  	p0 =	sne.s32 s22, $0x1FF00;
	[tilespmem:s23+$0xE430] =	vst v0;
	s24 =	smov.u32 s22;
	s22 =	sadd.s32 $0x100, s22  }
.Ltmp0:
0x18: {  	[tilespmem:s23+$0xE420] =	vst v0;
	(pc) =	sbr.rel @p0 .LBB2_2-.Ltmp0, $3  }
0x19: {  	[tilespmem:s23+$0xE400] =	vst v0  }
0x1a: {  	[tilespmem:s23+$0xE410] =	vst v0;
	_ =	sdelay $0x1  }
0x1b: {  	s23 =	sshra.s32 s24, $0x2  }
0x1c: {  	[tilespmem:s23+$0xE430] =	vst v0  }
0x1d: {  	[tilespmem:s23+$0xE420] =	vst v0  }
0x1e: {  	[tilespmem:s23+$0xE400] =	vst v0  }
0x1f: {  	s22 =	simm.s32 $0x0;
	[tilespmem:s23+$0xE410] =	vst v0  }
.LBB2_4:
0x20: {  	s23 =	sshll.u32 s22, $0x9  }
0x21: {  	s23 =	sand.u32 $0x3FFFFE00, s23  }
0x22: {  	s24 =	sor.u32 $0x180, s23  }
0x23: {  	[tilespmem:s15], [sflag:$0x4] =	stream.indirect.gather [hbm4b:s3+s10], $0x40, s24, s10, $0xb8;
	[tilespmem:$0x16400] =	vst v63  }
0x24: {  	_ =	swait.ge [sflag:s16], $0x2000  }
0x25: {  	[sflag:s16] =	ssyncset.done $0x0  }
0x26: {  	s24 =	simm.s32 $0x0;
	[sflag:s16] =	ssyncadd.s32 $0xFFFFE000  }
0x27: {  	v6 =	vld [tilespmem:s24+$0x6400]  }
0x28: {  	v7 =	vld [tilespmem:s24+$0x6410]  }
0x29: {  	v2 =	vld [tilespmem:s24+$0x6420]  }
0x2a: {  	v1 =	vld [tilespmem:s24+$0x6430]  }
0x2b: {  	v3 =	vld [tilespmem:s24+$0xE400]  }
0x2c: {  	v5 =	vld [tilespmem:s24+$0xE410]  }
0x2d: {  	s25 =	simm.s32 $0x100;
	v4 =	vld [tilespmem:s24+$0xE420]  }
.LBB2_5:
0x2e: {  	s26 =	sshra.s32 s25, $0x2;
	p0 =	sne.s32 s25, $0x7F00;
	v8 =	vld [tilespmem:s24+$0xE430];
	v9 =	vmov v2  }
0x2f: {  	v10 =	vld [tilespmem:s26+$0x6400];
	v11 =	vmov v1  }
0x30: {  	v12 =	vld [tilespmem:s26+$0x6410];
	v3 =	vadd.f32 v6, v3  }
.Ltmp1:
0x31: {  	v2 =	vld [tilespmem:s26+$0x6420];
	v5 =	vadd.f32 v7, v5;
	(pc) =	sbr.rel @p0 .LBB2_5-.Ltmp1, $4  }
0x32: {  	v1 =	vld [tilespmem:s26+$0x6430];
	[tilespmem:s24+$0xE400] =	vst v3;
	v4 =	vadd.f32 v9, v4  }
0x33: {  	v3 =	vld [tilespmem:s26+$0xE400];
	[tilespmem:s24+$0xE410] =	vst v5;
	v8 =	vadd.f32 v11, v8  }
0x34: {  	v5 =	vld [tilespmem:s26+$0xE410];
	[tilespmem:s24+$0xE420] =	vst v4;
	v6 =	vmov v10  }
0x35: {  	s25 =	sadd.s32 $0x100, s25;
	v4 =	vld [tilespmem:s26+$0xE420];
	[tilespmem:s24+$0xE430] =	vst v8;
	v7 =	vmov v12;
	s24 =	smov.u32 s26  }
0x36: {  	v8 =	vld [tilespmem:s24+$0xE430];
	_ =	sdelay $0x1  }
0x37: {  	v3 =	vadd.f32 v6, v3  }
0x38: {  	v5 =	vadd.f32 v7, v5  }
0x39: {  	[tilespmem:s24+$0xE400] =	vst v3;
	v2 =	vadd.f32 v2, v4  }
0x3a: {  	[tilespmem:s24+$0xE410] =	vst v5;
	v1 =	vadd.f32 v1, v8  }
0x3b: {  	p0 =	seq.s32 s22, $0x31;
	[tilespmem:s24+$0xE420] =	vst v2  }
0x3c: {  	s25 =	simm.s32 @!p0 $0x80;
	s26 =	simm.s32 @!p0 $0x6400;
	[tilespmem:s24+$0xE430] =	vst v1;
	s24 =	sadd.s32 @!p0 $0x200, s23  }
0x3d: {  	[tilespmem:s26], [sflag:$0x1] =	stream.indirect.gather @!p0 [hbm4b:s3+s25], $0x40, s24, s25, $0xb8;
	[tilespmem:$0x16400] =	vst v63  }
0x3e: {  	_ =	swait.ge [sflag:s17], $0x2000  }
0x3f: {  	[sflag:s17] =	ssyncset.done $0x0  }
0x40: {  	s24 =	simm.s32 $0x0;
	[sflag:s17] =	ssyncadd.s32 $0xFFFFE000  }
0x41: {  	v6 =	vld [tilespmem:s24+$0x8400]  }
0x42: {  	v7 =	vld [tilespmem:s24+$0x8410]  }
0x43: {  	v2 =	vld [tilespmem:s24+$0x8420]  }
0x44: {  	v1 =	vld [tilespmem:s24+$0x8430]  }
0x45: {  	v3 =	vld [tilespmem:s24+$0x10400]  }
0x46: {  	v5 =	vld [tilespmem:s24+$0x10410]  }
0x47: {  	s25 =	simm.s32 $0x100;
	v4 =	vld [tilespmem:s24+$0x10420]  }
.LBB2_7:
0x48: {  	s26 =	sshra.s32 s25, $0x2;
	p1 =	sne.s32 s25, $0x7F00;
	v8 =	vld [tilespmem:s24+$0x10430];
	v9 =	vmov v2  }
0x49: {  	v10 =	vld [tilespmem:s26+$0x8400];
	v11 =	vmov v1  }
0x4a: {  	v12 =	vld [tilespmem:s26+$0x8410];
	v3 =	vadd.f32 v6, v3  }
.Ltmp2:
0x4b: {  	v2 =	vld [tilespmem:s26+$0x8420];
	v5 =	vadd.f32 v7, v5;
	(pc) =	sbr.rel @p1 .LBB2_7-.Ltmp2, $4  }
0x4c: {  	v1 =	vld [tilespmem:s26+$0x8430];
	[tilespmem:s24+$0x10400] =	vst v3;
	v4 =	vadd.f32 v9, v4  }
0x4d: {  	v3 =	vld [tilespmem:s26+$0x10400];
	[tilespmem:s24+$0x10410] =	vst v5;
	v8 =	vadd.f32 v11, v8  }
0x4e: {  	v5 =	vld [tilespmem:s26+$0x10410];
	[tilespmem:s24+$0x10420] =	vst v4;
	v6 =	vmov v10  }
0x4f: {  	s25 =	sadd.s32 $0x100, s25;
	v4 =	vld [tilespmem:s26+$0x10420];
	[tilespmem:s24+$0x10430] =	vst v8;
	v7 =	vmov v12;
	s24 =	smov.u32 s26  }
0x50: {  	v8 =	vld [tilespmem:s24+$0x10430];
	_ =	sdelay $0x1  }
0x51: {  	v3 =	vadd.f32 v6, v3  }
0x52: {  	v5 =	vadd.f32 v7, v5  }
0x53: {  	[tilespmem:s24+$0x10400] =	vst v3;
	v2 =	vadd.f32 v2, v4  }
0x54: {  	[tilespmem:s24+$0x10410] =	vst v5;
	v1 =	vadd.f32 v1, v8  }
0x55: {  	[tilespmem:s24+$0x10420] =	vst v2  }
0x56: {  	s25 =	simm.s32 @!p0 $0x80;
	s26 =	simm.s32 @!p0 $0x8400;
	[tilespmem:s24+$0x10430] =	vst v1;
	s24 =	sadd.s32 @!p0 $0x280, s23  }
0x57: {  	[tilespmem:s26], [sflag:$0x2] =	stream.indirect.gather @!p0 [hbm4b:s3+s25], $0x40, s24, s25, $0xb8;
	[tilespmem:$0x16400] =	vst v63  }
0x58: {  	_ =	swait.ge [sflag:s18], $0x2000  }
0x59: {  	[sflag:s18] =	ssyncset.done $0x0  }
0x5a: {  	s24 =	simm.s32 $0x0;
	[sflag:s18] =	ssyncadd.s32 $0xFFFFE000  }
0x5b: {  	v6 =	vld [tilespmem:s24+$0xA400]  }
0x5c: {  	v7 =	vld [tilespmem:s24+$0xA410]  }
0x5d: {  	v2 =	vld [tilespmem:s24+$0xA420]  }
0x5e: {  	v1 =	vld [tilespmem:s24+$0xA430]  }
0x5f: {  	v3 =	vld [tilespmem:s24+$0x12400]  }
0x60: {  	v5 =	vld [tilespmem:s24+$0x12410]  }
0x61: {  	s25 =	simm.s32 $0x100;
	v4 =	vld [tilespmem:s24+$0x12420]  }
.LBB2_9:
0x62: {  	s26 =	sshra.s32 s25, $0x2;
	p1 =	sne.s32 s25, $0x7F00;
	v8 =	vld [tilespmem:s24+$0x12430];
	v9 =	vmov v2  }
0x63: {  	v10 =	vld [tilespmem:s26+$0xA400];
	v11 =	vmov v1  }
0x64: {  	v12 =	vld [tilespmem:s26+$0xA410];
	v3 =	vadd.f32 v6, v3  }
.Ltmp3:
0x65: {  	v2 =	vld [tilespmem:s26+$0xA420];
	v5 =	vadd.f32 v7, v5;
	(pc) =	sbr.rel @p1 .LBB2_9-.Ltmp3, $4  }
0x66: {  	v1 =	vld [tilespmem:s26+$0xA430];
	[tilespmem:s24+$0x12400] =	vst v3;
	v4 =	vadd.f32 v9, v4  }
0x67: {  	v3 =	vld [tilespmem:s26+$0x12400];
	[tilespmem:s24+$0x12410] =	vst v5;
	v8 =	vadd.f32 v11, v8  }
0x68: {  	v5 =	vld [tilespmem:s26+$0x12410];
	[tilespmem:s24+$0x12420] =	vst v4;
	v6 =	vmov v10  }
0x69: {  	s25 =	sadd.s32 $0x100, s25;
	v4 =	vld [tilespmem:s26+$0x12420];
	[tilespmem:s24+$0x12430] =	vst v8;
	v7 =	vmov v12;
	s24 =	smov.u32 s26  }
0x6a: {  	v8 =	vld [tilespmem:s24+$0x12430];
	_ =	sdelay $0x1  }
0x6b: {  	v3 =	vadd.f32 v6, v3  }
0x6c: {  	v5 =	vadd.f32 v7, v5  }
0x6d: {  	[tilespmem:s24+$0x12400] =	vst v3;
	v2 =	vadd.f32 v2, v4  }
0x6e: {  	[tilespmem:s24+$0x12410] =	vst v5;
	v1 =	vadd.f32 v1, v8  }
0x6f: {  	[tilespmem:s24+$0x12420] =	vst v2  }
0x70: {  	s23 =	sadd.s32 @!p0 $0x300, s23;
	s25 =	simm.s32 @!p0 $0xA400;
	[tilespmem:s24+$0x12430] =	vst v1;
	s24 =	simm.s32 @!p0 $0x80  }
0x71: {  	[tilespmem:s25], [sflag:$0x3] =	stream.indirect.gather @!p0 [hbm4b:s3+s24], $0x40, s23, s24, $0xb8;
	[tilespmem:$0x16400] =	vst v63  }
0x72: {  	_ =	swait.ge [sflag:s19], $0x2000  }
0x73: {  	[sflag:s19] =	ssyncset.done $0x0  }
0x74: {  	s23 =	simm.s32 $0x0;
	[sflag:s19] =	ssyncadd.s32 $0xFFFFE000  }
0x75: {  	v6 =	vld [tilespmem:s23+$0xC400]  }
0x76: {  	v7 =	vld [tilespmem:s23+$0xC410]  }
0x77: {  	v2 =	vld [tilespmem:s23+$0xC420]  }
0x78: {  	v1 =	vld [tilespmem:s23+$0xC430]  }
0x79: {  	v3 =	vld [tilespmem:s23+$0x14400]  }
0x7a: {  	v5 =	vld [tilespmem:s23+$0x14410]  }
0x7b: {  	s24 =	simm.s32 $0x100;
	v4 =	vld [tilespmem:s23+$0x14420]  }
.LBB2_11:
0x7c: {  	s25 =	sshra.s32 s24, $0x2;
	p0 =	sne.s32 s24, $0x7F00;
	v8 =	vld [tilespmem:s23+$0x14430];
	v9 =	vmov v2  }
0x7d: {  	v10 =	vld [tilespmem:s25+$0xC400];
	v11 =	vmov v1  }
0x7e: {  	v12 =	vld [tilespmem:s25+$0xC410];
	v3 =	vadd.f32 v6, v3  }
.Ltmp4:
0x7f: {  	v2 =	vld [tilespmem:s25+$0xC420];
	v5 =	vadd.f32 v7, v5;
	(pc) =	sbr.rel @p0 .LBB2_11-.Ltmp4, $4  }
0x80: {  	v1 =	vld [tilespmem:s25+$0xC430];
	[tilespmem:s23+$0x14400] =	vst v3;
	v4 =	vadd.f32 v9, v4  }
0x81: {  	v3 =	vld [tilespmem:s25+$0x14400];
	[tilespmem:s23+$0x14410] =	vst v5;
	v8 =	vadd.f32 v11, v8  }
0x82: {  	v5 =	vld [tilespmem:s25+$0x14410];
	[tilespmem:s23+$0x14420] =	vst v4;
	v6 =	vmov v10  }
0x83: {  	s24 =	sadd.s32 $0x100, s24;
	v4 =	vld [tilespmem:s25+$0x14420];
	[tilespmem:s23+$0x14430] =	vst v8;
	v7 =	vmov v12;
	s23 =	smov.u32 s25  }
0x84: {  	v8 =	vld [tilespmem:s23+$0x14430]  }
0x85: {  	s22 =	sadd.s32 $0x1, s22  }
0x86: {  	p0 =	sne.s32 s22, $0x32;
	v3 =	vadd.f32 v6, v3  }
.Ltmp5:
0x87: {  	v5 =	vadd.f32 v7, v5;
	(pc) =	sbr.rel @p0 .LBB2_4-.Ltmp5, $4  }
0x88: {  	[tilespmem:s23+$0x14400] =	vst v3;
	v2 =	vadd.f32 v2, v4  }
0x89: {  	[tilespmem:s23+$0x14410] =	vst v5;
	v1 =	vadd.f32 v1, v8  }
0x8a: {  	[tilespmem:s23+$0x14420] =	vst v2  }
0x8b: {  	[tilespmem:s23+$0x14430] =	vst v1  }
0x8c: {  	s21 =	sadd.s32 $0x1, s21  }
0x8d: {  	p0 =	sne.s32 s21, s6  }
.Ltmp6:
0x8e: {  	_ = 	snop;
	(pc) =	sbr.rel @p0 .LBB2_1-.Ltmp6, $4  }
0x8f: {  	[hbm4b:s5+s2] =	stream.linear.scatter [tilespmem:s20], [sflag:$0x5], $0x8000, $0x38;
	[tilespmem:$0x16400] =	vst v63  }
0x90: {  	_ =	swait.ge [sflag:s9], $0x8000  }
0x91: {  	[sflag:s9] =	ssyncset.done $0x0  }
0x92: {  	[sflag:s9] =	ssyncadd.s32 $0xFFFF8000  }
0x93: {  	_ =	sfence.sel $0x180000  }
0x94: {  	[bflag:$0x0] =	sbarrier.arrive $0xFFFF  }
0x95: {  	p0 =	sne.s32 s1, $0x0;
	_ =	strace $0x90000047  }
0x96: {  	s0 =	sadd.s32 @!p0 $0x100000, s0;
	[bflag:$0x2] =	sbarrier.arrive $0xFFFF  }
0x97: {  	[sflag:s0] =	ssyncadd.tile.s32 @!p0 $0x1;
	_ =	shalt  }
.Lfunc_end2:
_tile_overlayer_lowered:
.L_overlay_start_2:
0x98: {  	(tag) =	ssettag $0x2  }
0x99: {  	s0 =	rddreg [dreg:$0x0];
	s2 =	stileid.u32  }
0x9a: {  	s1 =	rddreg [dreg:$0x1];
	p0 =	sne.s32 s2, $0x0  }
0x9b: {  	s3 =	rddreg [dreg:$0x2];
	[bflag:$0x3] =	sbarrier.arrive $0xFFFF;
	s2 =	simm.s32 @!p0 $0x1C05  }
0x9c: {  	[timem:s3], [sflag:s2] =	dma.local @!p0 [hbm:s0], s1  }
0x9d: {  	s0 =	simm.s32 @!p0 $0x5  }
0x9e: {  	_ =	swait.ge @!p0 [sflag:s0], s1  }
0x9f: {  	s1 =	ssub.s32 @!p0 $0x0, s1;
	[sflag:s0] =	ssyncset.done @!p0 $0x0  }
0xa0: {  	[sflag:s0] =	ssyncadd.s32 @!p0 s1  }
0xa1: {  	[bflag:$0x3] =	sbarrier.arrive $0xFFFF  }
0xa2: {  	_ =	shalt  }

</sc_bundles>
